<compile_context>
chip_gen: v7x
topology: tpu7x:2x2x1
jax: 0.10.2.dev20260603
libtpu: 0.0.44.dev20260713+nightly
codegen_flags: <defaults>
</compile_context>

<pallas_src>
import functools

import jax
import jax.numpy as jnp
from jax import lax
from jax.experimental import pallas as pl
from jax.experimental.pallas import tpu as pltpu
from jax.experimental.pallas import tpu_sc as plsc


def _rne_hi16(x):
    b = lax.bitcast_convert_type(x, jnp.int32)
    return b + 0x7FFF + ((b >> 16) & 1)


def _coarse_body(li_ref, le_ref, w1_ref, wle_ref, out_ref):
    nb = le_ref.shape[1]
    z = jnp.dot(li_ref[...].astype(jnp.bfloat16), w1_ref[...],
                preferred_element_type=jnp.float32)
    le_all = le_ref[...].astype(jnp.bfloat16)
    les = [jnp.dot(le_all[:, b, :], wle_ref[...],
                   preferred_element_type=jnp.float32) for b in range(nb)]
    lo = jnp.concatenate([z, les[0]], axis=1)
    hi = jnp.concatenate(les[1:], axis=1)
    plo = _rne_hi16(lo)
    phi = _rne_hi16(hi)
    out_ref[...] = ((phi >> 16) << 16) | ((plo >> 16) & 0xFFFF)


def _fine_body(ce_ref, ci_ref, g_ref, wce_ref, w2_ref, w3_ref,
               b_ref, gam_ref, bet_ref, bmat_ref, out_ref):
    nb = ce_ref.shape[1]
    ec = wce_ref.shape[1]
    oc = w2_ref.shape[1]
    ce_all = ce_ref[...].astype(jnp.bfloat16)
    gw = g_ref[...]
    lo = lax.bitcast_convert_type(gw << 16, jnp.float32)
    hi = lax.bitcast_convert_type((gw >> 16) << 16, jnp.float32)
    gz = lo[:, :oc]
    gles = [lo[:, oc:oc + ec]] + [hi[:, b * ec:(b + 1) * ec] for b in range(nb - 1)]
    acc = gz + jnp.dot(ci_ref[...].astype(jnp.bfloat16), w2_ref[...],
                       preferred_element_type=jnp.float32)
    equ = None
    for b in range(nb):
        ceb = jnp.dot(ce_all[:, b, :], wce_ref[...],
                      preferred_element_type=jnp.float32)
        prod = ceb * gles[b]
        equ = prod if equ is None else equ + prod
    equ = equ * (1.0 / nb)
    acc = acc + jnp.dot(equ.astype(jnp.bfloat16), w3_ref[...],
                        preferred_element_type=jnp.float32)
    acc = acc + b_ref[...]
    mu = jnp.dot(acc.astype(jnp.bfloat16), bmat_ref[...],
                 preferred_element_type=jnp.float32)
    e2 = jnp.dot((acc * acc).astype(jnp.bfloat16), bmat_ref[...],
                 preferred_element_type=jnp.float32)
    var = e2 - mu * mu
    x = (acc - mu) * lax.rsqrt(var + 1e-5) * gam_ref[...] + bet_ref[...]
    out_ref[...] = jnp.where(x >= 0, x, 0.1 * x)


def _make_sc_gather(n_rows, d, dtype, chunk):
    info = plsc.get_sparse_core_info()
    nc, ns = info.num_cores, info.num_subcores
    nw = nc * ns
    b_per_w = n_rows // nw
    npair = b_per_w // (2 * chunk)
    mesh = plsc.VectorSubcoreMesh(core_axis_name="c", subcore_axis_name="s")

    @functools.partial(
        pl.kernel, mesh=mesh,
        out_type=jax.ShapeDtypeStruct((n_rows, d), dtype),
        scratch_types=[
            pltpu.VMEM((b_per_w,), jnp.int32),
            pltpu.VMEM((chunk, d), dtype),
            pltpu.VMEM((chunk, d), dtype),
            pltpu.SemaphoreType.DMA,
            pltpu.SemaphoreType.DMA,
        ],
    )
    def gk(table_hbm, idx_hbm, out_hbm, idx_v, rows0, rows1, sem0, sem1):
        wid = lax.axis_index("s") * nc + lax.axis_index("c")
        base = pl.multiple_of(wid * b_per_w, 8)
        pltpu.sync_copy(idx_hbm.at[pl.ds(base, b_per_w)], idx_v)

        def body(i, carry):
            o0 = pl.multiple_of(2 * i * chunk, 8)
            o1 = pl.multiple_of((2 * i + 1) * chunk, 8)
            g0 = pltpu.async_copy(
                table_hbm.at[idx_v.at[pl.ds(o0, chunk)]], rows0, sem0)
            g1 = pltpu.async_copy(
                table_hbm.at[idx_v.at[pl.ds(o1, chunk)]], rows1, sem1)
            g0.wait()
            pltpu.sync_copy(rows0, out_hbm.at[pl.ds(base + o0, chunk)])
            g1.wait()
            pltpu.sync_copy(rows1, out_hbm.at[pl.ds(base + o1, chunk)])
            return carry

        lax.fori_loop(0, npair, body, 0)

    return gk


def kernel(last_inv, cur_inv, last_equ, cur_equ, upsampling,
           W_last_equ, W_cur_equ, W_mlp, b_mlp, gamma, beta):
    n_c, inv_l = last_inv.shape
    n_f, inv_c = cur_inv.shape
    nb, equ_l = last_equ.shape[1], last_equ.shape[2]
    equ_c = cur_equ.shape[2]
    out_c = W_mlp.shape[1]
    dw = (out_c + nb * equ_c) // 2

    W1 = W_mlp[:inv_l].astype(jnp.bfloat16)
    W2 = W_mlp[inv_l:inv_l + inv_c].astype(jnp.bfloat16)
    W3 = W_mlp[inv_l + inv_c:].astype(jnp.bfloat16)
    Wle = W_last_equ.astype(jnp.bfloat16)
    Wce = W_cur_equ.astype(jnp.bfloat16)
    grp = jnp.arange(out_c, dtype=jnp.int32) // 16
    bmat = jnp.where(grp[:, None] == grp[None, :], 1.0 / 16, 0.0
                     ).astype(jnp.bfloat16)

    bc = 512
    table = pl.pallas_call(
        _coarse_body,
        grid=(pl.cdiv(n_c, bc),),
        in_specs=[
            pl.BlockSpec((bc, inv_l), lambda i: (i, 0)),
            pl.BlockSpec((bc, nb, equ_l), lambda i: (i, 0, 0)),
            pl.BlockSpec((inv_l, out_c), lambda i: (0, 0)),
            pl.BlockSpec((equ_l, equ_c), lambda i: (0, 0)),
        ],
        out_specs=pl.BlockSpec((bc, dw), lambda i: (i, 0)),
        out_shape=jax.ShapeDtypeStruct((n_c, dw), jnp.int32),
    )(last_inv, last_equ, W1, Wle)

    chunk = 56
    align = 32 * 2 * chunk
    n_pad = ((n_f + align - 1) // align) * align
    idx = upsampling[:, 0].astype(jnp.int32)
    idx = jnp.concatenate([idx, jnp.zeros((n_pad - n_f,), dtype=jnp.int32)])
    gathered = _make_sc_gather(n_pad, dw, jnp.int32, chunk)(table, idx)

    fb = 1024
    out = pl.pallas_call(
        _fine_body,
        grid=(pl.cdiv(n_f, fb),),
        in_specs=[
            pl.BlockSpec((fb, nb, equ_c), lambda i: (i, 0, 0)),
            pl.BlockSpec((fb, inv_c), lambda i: (i, 0)),
            pl.BlockSpec((fb, dw), lambda i: (i, 0)),
            pl.BlockSpec((equ_c, equ_c), lambda i: (0, 0)),
            pl.BlockSpec((inv_c, out_c), lambda i: (0, 0)),
            pl.BlockSpec((equ_c, out_c), lambda i: (0, 0)),
            pl.BlockSpec((1, out_c), lambda i: (0, 0)),
            pl.BlockSpec((1, out_c), lambda i: (0, 0)),
            pl.BlockSpec((1, out_c), lambda i: (0, 0)),
            pl.BlockSpec((out_c, out_c), lambda i: (0, 0)),
        ],
        out_specs=pl.BlockSpec((fb, out_c), lambda i: (i, 0)),
        out_shape=jax.ShapeDtypeStruct((n_f, out_c), jnp.float32),
    )(cur_equ, cur_inv, gathered, Wce, W2, W3,
      b_mlp.reshape(1, out_c), gamma.reshape(1, out_c), beta.reshape(1, out_c),
      bmat)
    return out

# --- scband reference (transcript-rebuilt; emitter-appended) ---
"""Pipeline reference for scband-kpconv-fpn-42090679501121 (READ-ONLY COPY).

The authoritative reference and input builder live on the scoring server;
editing this copy changes nothing except your own understanding.
"""

import jax, jax.numpy as jnp
import numpy as np

N_FINE = 50000
N_COARSE = 12500
MIN_BASIS = 4  # (min(L_in=1, L_out=1)+1)**2
EQU_L = 512    # 16*e_c
EQU_C = 256    # 8*e_c
INV_L = 1024   # init_dim*16
INV_C = 512    # init_dim*8
OUT_C = 512    # init_dim*8
GROUPS = 32


def setup_inputs(seed: int = 0) -> dict:
    key = jax.random.key(seed)
    ks = jax.random.split(key, 10)
    last_inv = jax.random.normal(ks[0], (N_COARSE, INV_L), dtype=jnp.float32)
    cur_inv = jax.random.normal(ks[1], (N_FINE, INV_C), dtype=jnp.float32)
    last_equ = jax.random.normal(ks[2], (N_COARSE, MIN_BASIS, EQU_L), dtype=jnp.float32)
    cur_equ = jax.random.normal(ks[3], (N_FINE, MIN_BASIS, EQU_C), dtype=jnp.float32)
    upsampling = jax.random.randint(ks[4], (N_FINE, 1), 0, N_COARSE, dtype=jnp.int64 if jax.config.jax_enable_x64 else jnp.int32)
    # learned parameters
    W_last_equ = jax.random.normal(ks[5], (EQU_L, EQU_C), dtype=jnp.float32) * (1.0 / np.sqrt(EQU_L))
    W_cur_equ = jax.random.normal(ks[6], (EQU_C, EQU_C), dtype=jnp.float32) * (1.0 / np.sqrt(EQU_C))
    in_mlp = INV_L + INV_C + EQU_C  # 1792
    W_mlp = jax.random.normal(ks[7], (in_mlp, OUT_C), dtype=jnp.float32) * (1.0 / np.sqrt(in_mlp))
    b_mlp = jnp.zeros((OUT_C,), dtype=jnp.float32)
    gamma = jnp.ones((OUT_C,), dtype=jnp.float32)
    beta = jnp.zeros((OUT_C,), dtype=jnp.float32)
    return {
        'last_inv': last_inv,
        'cur_inv': cur_inv,
        'last_equ': last_equ,
        'cur_equ': cur_equ,
        'upsampling': upsampling,
        'W_last_equ': W_last_equ,
        'W_cur_equ': W_cur_equ,
        'W_mlp': W_mlp,
        'b_mlp': b_mlp,
        'gamma': gamma,
        'beta': beta,
    }


def _group_norm(x, gamma, beta, groups=GROUPS, eps=1e-5):
    N, C = x.shape
    xg = x.reshape(N, groups, C // groups)
    mean = xg.mean(axis=-1, keepdims=True)
    var = xg.var(axis=-1, keepdims=True)
    xg = (xg - mean) / jnp.sqrt(var + eps)
    return xg.reshape(N, C) * gamma + beta


def reference(last_inv, cur_inv, last_equ, cur_equ, upsampling,
              W_last_equ, W_cur_equ, W_mlp, b_mlp, gamma, beta):
    # nearest_upsample: gather nearest coarse neighbor for each fine point
    idx = upsampling[:, 0]
    li = jnp.take(last_inv, idx, axis=0)                 # [N_FINE, INV_L]
    le = jnp.take(last_equ, idx, axis=0)[:, :MIN_BASIS, :]  # [N_FINE, 4, EQU_L]
    # fc_last_equ / fc_cur_equ (bias=False linears on last dim)
    le = jnp.einsum('nbl,lc->nbc', le, W_last_equ)       # [N_FINE, 4, EQU_C]
    ce = cur_equ[:, :MIN_BASIS, :]
    ce = jnp.einsum('nbl,lc->nbc', ce, W_cur_equ)        # [N_FINE, 4, EQU_C]
    # invariant contraction over basis dim
    equ = (ce * le).mean(axis=1)                         # [N_FINE, EQU_C]
    com = jnp.concatenate([li, cur_inv, equ], axis=-1)   # [N_FINE, 1792]
    # UnaryBlock: Linear + GroupNorm + LeakyReLU(0.1)
    x = com @ W_mlp + b_mlp
    x = _group_norm(x, gamma, beta)
    x = jnp.where(x >= 0, x, 0.1 * x)
    return x

if __name__ == "__main__":
    import jax
    _d = setup_inputs()
    print(jax.jit(kernel)(*tuple(_d.values())))

</pallas_src>

<mosaic_0001>
#map = affine_map<(d0, d1) -> (0, 0)>
#map1 = affine_map<(d0, d1) -> (0)>
module attributes {stable_mosaic.version = 14 : i64} {
  func.func @gk(%arg0: i32, %arg1: i32, %arg2: memref<12500x768xi32, #tpu.memory_space<hbm>>, %arg3: memref<50176xi32, #tpu.memory_space<hbm>>, %arg4: memref<50176x768xi32, #tpu.memory_space<hbm>>, %arg5: memref<1568xi32, #tpu.memory_space<vmem>>, %arg6: memref<56x768xi32, #tpu.memory_space<vmem>>, %arg7: memref<56x768xi32, #tpu.memory_space<vmem>>, %arg8: memref<!tpu.dma_semaphore, #tpu.memory_space<semaphore_mem>>, %arg9: memref<!tpu.dma_semaphore, #tpu.memory_space<semaphore_mem>>) attributes {dimension_semantics = [#tpu.dimension_semantics<core_parallel>, #tpu.dimension_semantics<subcore_parallel>], iteration_bounds = array<i64: 2, 16>, scalar_prefetch = 0 : i64, scratch_operands = 5 : i64, tpu.core_type = #tpu.core_type<sc_vector_subcore>, window_params = [{transform_indices = #map}, {transform_indices = #map1}, {transform_indices = #map}]} {
    %mul3A = arith.constant 2 : i32
    %mul3A_0 = arith.muli %arg1, %mul3A : i32
    %add3A = arith.addi %mul3A_0, %arg0 : i32
    %mul3A_1 = arith.constant 1568 : i32
    %mul3A_2 = arith.muli %add3A, %mul3A_1 : i32
    %multiple_of3A = tpu.assume_multiple %mul3A_2, 8 : i32
    "tpu.region"() ({
      %run_scoped3A = tpu.sem_alloc : memref<!tpu.dma_semaphore, #tpu.memory_space<semaphore_mem>>
      %dma_start3A = tpu.memref_slice %arg3[%multiple_of3A] : memref<50176xi32, #tpu.memory_space<hbm>> -> memref<1568xi32, #tpu.memory_space<hbm>>
      %dma_start3A_8 = tpu.memref_slice %arg3[%multiple_of3A] : memref<50176xi32, #tpu.memory_space<hbm>> -> memref<1568xi32, #tpu.memory_space<hbm>>
      tpu.enqueue_dma source(%dma_start3A_8 : memref<1568xi32, #tpu.memory_space<hbm>>) target(%arg5 : memref<1568xi32, #tpu.memory_space<vmem>>) target_semaphore(%run_scoped3A : memref<!tpu.dma_semaphore, #tpu.memory_space<semaphore_mem>>)
      %dma_wait3A = tpu.memref_slice %arg3[%multiple_of3A] : memref<50176xi32, #tpu.memory_space<hbm>> -> memref<1568xi32, #tpu.memory_space<hbm>>
      %dma_wait3A_9 = tpu.memref_slice %arg3[%multiple_of3A] : memref<50176xi32, #tpu.memory_space<hbm>> -> memref<1568xi32, #tpu.memory_space<hbm>>
      tpu.wait_dma2 semaphore(%run_scoped3A : memref<!tpu.dma_semaphore, #tpu.memory_space<semaphore_mem>>) src(%dma_wait3A_9 : memref<1568xi32, #tpu.memory_space<hbm>>) dst(%arg5 : memref<1568xi32, #tpu.memory_space<vmem>>)
      tpu.yield
    }) : () -> ()
    %scan3A = arith.constant 0 : i32
    %scan3A_3 = arith.constant 0 : i32
    %scan3A_4 = arith.constant 14 : i32
    %scan3A_5 = arith.addi %scan3A_3, %scan3A_4 : i32
    %scan3A_6 = arith.constant 1 : i32
    scf.for %scan3A_8 = %scan3A_3 to %scan3A_5 step %scan3A_6  : i32 {
      %mul3A_9 = arith.constant 2 : i32
      %mul3A_10 = arith.muli %mul3A_9, %scan3A_8 : i32
      %mul3A_11 = arith.constant 56 : i32
      %mul3A_12 = arith.muli %mul3A_10, %mul3A_11 : i32
      %multiple_of3A_13 = tpu.assume_multiple %mul3A_12, 8 : i32
      %mul3A_14 = arith.constant 2 : i32
      %mul3A_15 = arith.muli %mul3A_14, %scan3A_8 : i32
      %add3A_16 = arith.constant 1 : i32
      %add3A_17 = arith.addi %mul3A_15, %add3A_16 : i32
      %mul3A_18 = arith.constant 56 : i32
      %mul3A_19 = arith.muli %add3A_17, %mul3A_18 : i32
      %multiple_of3A_20 = tpu.assume_multiple %mul3A_19, 8 : i32
      %dma_start3A = tpu.memref_slice %arg5[%multiple_of3A_13] : memref<1568xi32, #tpu.memory_space<vmem>> -> memref<56xi32, #tpu.memory_space<vmem>>
      %dma_start3A_21 = arith.constant 0 : i32
      %dma_start3A_22 = arith.constant 0 : i32
      %dma_start3A_23 = tpu.memref_slice %arg2[%dma_start3A_21, %dma_start3A_22] : memref<12500x768xi32, #tpu.memory_space<hbm>> -> memref<12500x768xi32, #tpu.memory_space<hbm>>
      tpu.enqueue_indirect_dma source(%dma_start3A_23 : memref<12500x768xi32, #tpu.memory_space<hbm>>) target(%arg6 : memref<56x768xi32, #tpu.memory_space<vmem>>) offsets(%dma_start3A : memref<56xi32, #tpu.memory_space<vmem>>) semaphore(%arg8 : memref<!tpu.dma_semaphore, #tpu.memory_space<semaphore_mem>>)
      %dma_start3A_24 = tpu.memref_slice %arg5[%multiple_of3A_20] : memref<1568xi32, #tpu.memory_space<vmem>> -> memref<56xi32, #tpu.memory_space<vmem>>
      %dma_start3A_25 = arith.constant 0 : i32
      %dma_start3A_26 = arith.constant 0 : i32
      %dma_start3A_27 = tpu.memref_slice %arg2[%dma_start3A_25, %dma_start3A_26] : memref<12500x768xi32, #tpu.memory_space<hbm>> -> memref<12500x768xi32, #tpu.memory_space<hbm>>
      tpu.enqueue_indirect_dma source(%dma_start3A_27 : memref<12500x768xi32, #tpu.memory_space<hbm>>) target(%arg7 : memref<56x768xi32, #tpu.memory_space<vmem>>) offsets(%dma_start3A_24 : memref<56xi32, #tpu.memory_space<vmem>>) semaphore(%arg9 : memref<!tpu.dma_semaphore, #tpu.memory_space<semaphore_mem>>)
      %dma_wait3A = tpu.memref_slice %arg5[%multiple_of3A_13] : memref<1568xi32, #tpu.memory_space<vmem>> -> memref<56xi32, #tpu.memory_space<vmem>>
      %dma_wait3A_28 = arith.constant 0 : i32
      %dma_wait3A_29 = arith.constant 0 : i32
      %dma_wait3A_30 = tpu.memref_slice %arg2[%dma_wait3A_28, %dma_wait3A_29] : memref<12500x768xi32, #tpu.memory_space<hbm>> -> memref<12500x768xi32, #tpu.memory_space<hbm>>
      tpu.wait_indirect_dma semaphore(%arg8 : memref<!tpu.dma_semaphore, #tpu.memory_space<semaphore_mem>>) src(%dma_wait3A_30 : memref<12500x768xi32, #tpu.memory_space<hbm>>) dst(%arg6 : memref<56x768xi32, #tpu.memory_space<vmem>>)
      %add3A_31 = arith.addi %multiple_of3A, %multiple_of3A_13 : i32
      "tpu.region"() ({
        %run_scoped3A = tpu.sem_alloc : memref<!tpu.dma_semaphore, #tpu.memory_space<semaphore_mem>>
        %dma_start3A_37 = arith.constant 0 : i32
        %dma_start3A_38 = tpu.memref_slice %arg4[%add3A_31, %dma_start3A_37] : memref<50176x768xi32, #tpu.memory_space<hbm>> -> memref<56x768xi32, #tpu.memory_space<hbm>>
        %dma_start3A_39 = arith.constant 0 : i32
        %dma_start3A_40 = tpu.memref_slice %arg4[%add3A_31, %dma_start3A_39] : memref<50176x768xi32, #tpu.memory_space<hbm>> -> memref<56x768xi32, #tpu.memory_space<hbm>>
        tpu.enqueue_dma source(%arg6 : memref<56x768xi32, #tpu.memory_space<vmem>>) target(%dma_start3A_40 : memref<56x768xi32, #tpu.memory_space<hbm>>) target_semaphore(%run_scoped3A : memref<!tpu.dma_semaphore, #tpu.memory_space<semaphore_mem>>)
        %dma_wait3A_41 = arith.constant 0 : i32
        %dma_wait3A_42 = tpu.memref_slice %arg4[%add3A_31, %dma_wait3A_41] : memref<50176x768xi32, #tpu.memory_space<hbm>> -> memref<56x768xi32, #tpu.memory_space<hbm>>
        %dma_wait3A_43 = arith.constant 0 : i32
        %dma_wait3A_44 = tpu.memref_slice %arg4[%add3A_31, %dma_wait3A_43] : memref<50176x768xi32, #tpu.memory_space<hbm>> -> memref<56x768xi32, #tpu.memory_space<hbm>>
        tpu.wait_dma2 semaphore(%run_scoped3A : memref<!tpu.dma_semaphore, #tpu.memory_space<semaphore_mem>>) src(%arg6 : memref<56x768xi32, #tpu.memory_space<vmem>>) dst(%dma_wait3A_44 : memref<56x768xi32, #tpu.memory_space<hbm>>)
        tpu.yield
      }) : () -> ()
      %dma_wait3A_32 = tpu.memref_slice %arg5[%multiple_of3A_20] : memref<1568xi32, #tpu.memory_space<vmem>> -> memref<56xi32, #tpu.memory_space<vmem>>
      %dma_wait3A_33 = arith.constant 0 : i32
      %dma_wait3A_34 = arith.constant 0 : i32
      %dma_wait3A_35 = tpu.memref_slice %arg2[%dma_wait3A_33, %dma_wait3A_34] : memref<12500x768xi32, #tpu.memory_space<hbm>> -> memref<12500x768xi32, #tpu.memory_space<hbm>>
      tpu.wait_indirect_dma semaphore(%arg9 : memref<!tpu.dma_semaphore, #tpu.memory_space<semaphore_mem>>) src(%dma_wait3A_35 : memref<12500x768xi32, #tpu.memory_space<hbm>>) dst(%arg7 : memref<56x768xi32, #tpu.memory_space<vmem>>)
      %add3A_36 = arith.addi %multiple_of3A, %multiple_of3A_20 : i32
      "tpu.region"() ({
        %run_scoped3A = tpu.sem_alloc : memref<!tpu.dma_semaphore, #tpu.memory_space<semaphore_mem>>
        %dma_start3A_37 = arith.constant 0 : i32
        %dma_start3A_38 = tpu.memref_slice %arg4[%add3A_36, %dma_start3A_37] : memref<50176x768xi32, #tpu.memory_space<hbm>> -> memref<56x768xi32, #tpu.memory_space<hbm>>
        %dma_start3A_39 = arith.constant 0 : i32
        %dma_start3A_40 = tpu.memref_slice %arg4[%add3A_36, %dma_start3A_39] : memref<50176x768xi32, #tpu.memory_space<hbm>> -> memref<56x768xi32, #tpu.memory_space<hbm>>
        tpu.enqueue_dma source(%arg7 : memref<56x768xi32, #tpu.memory_space<vmem>>) target(%dma_start3A_40 : memref<56x768xi32, #tpu.memory_space<hbm>>) target_semaphore(%run_scoped3A : memref<!tpu.dma_semaphore, #tpu.memory_space<semaphore_mem>>)
        %dma_wait3A_41 = arith.constant 0 : i32
        %dma_wait3A_42 = tpu.memref_slice %arg4[%add3A_36, %dma_wait3A_41] : memref<50176x768xi32, #tpu.memory_space<hbm>> -> memref<56x768xi32, #tpu.memory_space<hbm>>
        %dma_wait3A_43 = arith.constant 0 : i32
        %dma_wait3A_44 = tpu.memref_slice %arg4[%add3A_36, %dma_wait3A_43] : memref<50176x768xi32, #tpu.memory_space<hbm>> -> memref<56x768xi32, #tpu.memory_space<hbm>>
        tpu.wait_dma2 semaphore(%run_scoped3A : memref<!tpu.dma_semaphore, #tpu.memory_space<semaphore_mem>>) src(%arg7 : memref<56x768xi32, #tpu.memory_space<vmem>>) dst(%dma_wait3A_44 : memref<56x768xi32, #tpu.memory_space<hbm>>)
        tpu.yield
      }) : () -> ()
    }
    %scan3A_7 = arith.constant 14 : i32
    return
  }
}

module attributes {stable_mosaic.version = 14 : i64} {
  func.func @_coarse_body(%arg0: i32, %arg1: memref<512x1024xf32, #tpu.memory_space<vmem>>, %arg2: memref<512x4x512xf32, #tpu.memory_space<vmem>>, %arg3: memref<1024x512xbf16, #tpu.memory_space<vmem>>, %arg4: memref<512x256xbf16, #tpu.memory_space<vmem>>, %arg5: memref<512x768xi32, #tpu.memory_space<vmem>>) attributes {dimension_semantics = [#tpu.dimension_semantics<arbitrary>], iteration_bounds = array<i64: 25>, scalar_prefetch = 0 : i64, scratch_operands = 0 : i64, tpu.core_type = #tpu.core_type<tc>, window_params = [{transform_indices = @transform_0, window_bounds = array<i64: 512, 1024>}, {transform_indices = @transform_1, window_bounds = array<i64: 512, 4, 512>}, {pipeline_mode = #tpu.pipeline_mode<synchronous>, transform_indices = @transform_2, window_bounds = array<i64: 1024, 512>}, {pipeline_mode = #tpu.pipeline_mode<synchronous>, transform_indices = @transform_3, window_bounds = array<i64: 512, 256>}, {transform_indices = @transform_4, window_bounds = array<i64: 512, 768>}]} {
    %get3A = arith.constant 0 : index
    %get3A_0 = arith.constant 0 : index
    %get3A_1 = vector.load %arg1[%get3A, %get3A_0] : memref<512x1024xf32, #tpu.memory_space<vmem>>, vector<512x1024xf32>
    %convert_element_type3A = arith.truncf %get3A_1 : vector<512x1024xf32> to vector<512x1024xbf16>
    %get3A_2 = arith.constant 0 : index
    %get3A_3 = arith.constant 0 : index
    %get3A_4 = vector.load %arg3[%get3A_2, %get3A_3] : memref<1024x512xbf16, #tpu.memory_space<vmem>>, vector<1024x512xbf16>
    %dot_general3A = arith.constant dense<0.000000e+00> : vector<512x512xf32>
    %dot_general3A_5 = tpu.matmul %convert_element_type3A, %get3A_4, %dot_general3A {dimension_numbers = #tpu.dot_dimension_numbers<[1], [0], [0], [1], [0, 0, 1, 1], [], []>, transpose_lhs_hint = false} : vector<512x1024xbf16>, vector<1024x512xbf16>, vector<512x512xf32> -> vector<512x512xf32>
    %get3A_6 = arith.constant 0 : index
    %get3A_7 = arith.constant 0 : index
    %get3A_8 = arith.constant 0 : index
    %get3A_9 = vector.load %arg2[%get3A_6, %get3A_7, %get3A_8] : memref<512x4x512xf32, #tpu.memory_space<vmem>>, vector<512x4x512xf32>
    %convert_element_type3A_10 = arith.truncf %get3A_9 : vector<512x4x512xf32> to vector<512x4x512xbf16>
    %slice3A = vector.extract_strided_slice %convert_element_type3A_10 {offsets = [0, 0, 0], sizes = [512, 1, 512], strides = [1, 1, 1]} : vector<512x4x512xbf16> to vector<512x1x512xbf16>
    %squeeze3A = vector.shape_cast %slice3A : vector<512x1x512xbf16> to vector<512x512xbf16>
    %get3A_11 = arith.constant 0 : index
    %get3A_12 = arith.constant 0 : index
    %get3A_13 = vector.load %arg4[%get3A_11, %get3A_12] : memref<512x256xbf16, #tpu.memory_space<vmem>>, vector<512x256xbf16>
    %dot_general3A_14 = arith.constant dense<0.000000e+00> : vector<512x256xf32>
    %dot_general3A_15 = tpu.matmul %squeeze3A, %get3A_13, %dot_general3A_14 {dimension_numbers = #tpu.dot_dimension_numbers<[1], [0], [0], [1], [0, 0, 1, 1], [], []>, transpose_lhs_hint = false} : vector<512x512xbf16>, vector<512x256xbf16>, vector<512x256xf32> -> vector<512x256xf32>
    %slice3A_16 = vector.extract_strided_slice %convert_element_type3A_10 {offsets = [0, 1, 0], sizes = [512, 1, 512], strides = [1, 1, 1]} : vector<512x4x512xbf16> to vector<512x1x512xbf16>
    %squeeze3A_17 = vector.shape_cast %slice3A_16 : vector<512x1x512xbf16> to vector<512x512xbf16>
    %get3A_18 = arith.constant 0 : index
    %get3A_19 = arith.constant 0 : index
    %get3A_20 = vector.load %arg4[%get3A_18, %get3A_19] : memref<512x256xbf16, #tpu.memory_space<vmem>>, vector<512x256xbf16>
    %dot_general3A_21 = arith.constant dense<0.000000e+00> : vector<512x256xf32>
    %dot_general3A_22 = tpu.matmul %squeeze3A_17, %get3A_20, %dot_general3A_21 {dimension_numbers = #tpu.dot_dimension_numbers<[1], [0], [0], [1], [0, 0, 1, 1], [], []>, transpose_lhs_hint = false} : vector<512x512xbf16>, vector<512x256xbf16>, vector<512x256xf32> -> vector<512x256xf32>
    %slice3A_23 = vector.extract_strided_slice %convert_element_type3A_10 {offsets = [0, 2, 0], sizes = [512, 1, 512], strides = [1, 1, 1]} : vector<512x4x512xbf16> to vector<512x1x512xbf16>
    %squeeze3A_24 = vector.shape_cast %slice3A_23 : vector<512x1x512xbf16> to vector<512x512xbf16>
    %get3A_25 = arith.constant 0 : index
    %get3A_26 = arith.constant 0 : index
    %get3A_27 = vector.load %arg4[%get3A_25, %get3A_26] : memref<512x256xbf16, #tpu.memory_space<vmem>>, vector<512x256xbf16>
    %dot_general3A_28 = arith.constant dense<0.000000e+00> : vector<512x256xf32>
    %dot_general3A_29 = tpu.matmul %squeeze3A_24, %get3A_27, %dot_general3A_28 {dimension_numbers = #tpu.dot_dimension_numbers<[1], [0], [0], [1], [0, 0, 1, 1], [], []>, transpose_lhs_hint = false} : vector<512x512xbf16>, vector<512x256xbf16>, vector<512x256xf32> -> vector<512x256xf32>
    %slice3A_30 = vector.extract_strided_slice %convert_element_type3A_10 {offsets = [0, 3, 0], sizes = [512, 1, 512], strides = [1, 1, 1]} : vector<512x4x512xbf16> to vector<512x1x512xbf16>
    %squeeze3A_31 = vector.shape_cast %slice3A_30 : vector<512x1x512xbf16> to vector<512x512xbf16>
    %get3A_32 = arith.constant 0 : index
    %get3A_33 = arith.constant 0 : index
    %get3A_34 = vector.load %arg4[%get3A_32, %get3A_33] : memref<512x256xbf16, #tpu.memory_space<vmem>>, vector<512x256xbf16>
    %dot_general3A_35 = arith.constant dense<0.000000e+00> : vector<512x256xf32>
    %dot_general3A_36 = tpu.matmul %squeeze3A_31, %get3A_34, %dot_general3A_35 {dimension_numbers = #tpu.dot_dimension_numbers<[1], [0], [0], [1], [0, 0, 1, 1], [], []>, transpose_lhs_hint = false} : vector<512x512xbf16>, vector<512x256xbf16>, vector<512x256xf32> -> vector<512x256xf32>
    %concatenate3A = tpu.concatenate %dot_general3A_5, %dot_general3A_15 in 1 : vector<512x512xf32>, vector<512x256xf32> -> vector<512x768xf32>
    %concatenate3A_37 = tpu.concatenate %dot_general3A_22, %dot_general3A_29, %dot_general3A_36 in 1 : vector<512x256xf32>, vector<512x256xf32>, vector<512x256xf32> -> vector<512x768xf32>
    %bitcast_convert_type3A = tpu.bitcast %concatenate3A : vector<512x768xf32> -> vector<512x768xi32>
    %add3A = arith.constant 32767 : i32
    %add3A_38 = vector.broadcast %add3A : i32 to vector<512x768xi32>
    %add3A_39 = arith.addi %bitcast_convert_type3A, %add3A_38 : vector<512x768xi32>
    %shift_right_arithmetic3A = arith.constant 16 : i32
    %shift_right_arithmetic3A_40 = vector.broadcast %shift_right_arithmetic3A : i32 to vector<512x768xi32>
    %shift_right_arithmetic3A_41 = arith.shrsi %bitcast_convert_type3A, %shift_right_arithmetic3A_40 : vector<512x768xi32>
    %and3A = arith.constant 1 : i32
    %and3A_42 = vector.broadcast %and3A : i32 to vector<512x768xi32>
    %and3A_43 = arith.andi %shift_right_arithmetic3A_41, %and3A_42 : vector<512x768xi32>
    %add3A_44 = arith.addi %add3A_39, %and3A_43 : vector<512x768xi32>
    %bitcast_convert_type3A_45 = tpu.bitcast %concatenate3A_37 : vector<512x768xf32> -> vector<512x768xi32>
    %add3A_46 = arith.constant 32767 : i32
    %add3A_47 = vector.broadcast %add3A_46 : i32 to vector<512x768xi32>
    %add3A_48 = arith.addi %bitcast_convert_type3A_45, %add3A_47 : vector<512x768xi32>
    %shift_right_arithmetic3A_49 = arith.constant 16 : i32
    %shift_right_arithmetic3A_50 = vector.broadcast %shift_right_arithmetic3A_49 : i32 to vector<512x768xi32>
    %shift_right_arithmetic3A_51 = arith.shrsi %bitcast_convert_type3A_45, %shift_right_arithmetic3A_50 : vector<512x768xi32>
    %and3A_52 = arith.constant 1 : i32
    %and3A_53 = vector.broadcast %and3A_52 : i32 to vector<512x768xi32>
    %and3A_54 = arith.andi %shift_right_arithmetic3A_51, %and3A_53 : vector<512x768xi32>
    %add3A_55 = arith.addi %add3A_48, %and3A_54 : vector<512x768xi32>
    %shift_right_arithmetic3A_56 = arith.constant 16 : i32
    %shift_right_arithmetic3A_57 = vector.broadcast %shift_right_arithmetic3A_56 : i32 to vector<512x768xi32>
    %shift_right_arithmetic3A_58 = arith.shrsi %add3A_55, %shift_right_arithmetic3A_57 : vector<512x768xi32>
    %shift_left3A = arith.constant 16 : i32
    %shift_left3A_59 = vector.broadcast %shift_left3A : i32 to vector<512x768xi32>
    %shift_left3A_60 = arith.shli %shift_right_arithmetic3A_58, %shift_left3A_59 : vector<512x768xi32>
    %shift_right_arithmetic3A_61 = arith.constant 16 : i32
    %shift_right_arithmetic3A_62 = vector.broadcast %shift_right_arithmetic3A_61 : i32 to vector<512x768xi32>
    %shift_right_arithmetic3A_63 = arith.shrsi %add3A_44, %shift_right_arithmetic3A_62 : vector<512x768xi32>
    %and3A_64 = arith.constant 65535 : i32
    %and3A_65 = vector.broadcast %and3A_64 : i32 to vector<512x768xi32>
    %and3A_66 = arith.andi %shift_right_arithmetic3A_63, %and3A_65 : vector<512x768xi32>
    %or3A = arith.ori %shift_left3A_60, %and3A_66 : vector<512x768xi32>
    %swap3A = arith.constant 0 : index
    %swap3A_67 = arith.constant 0 : index
    %swap3A_68 = vector.load %arg5[%swap3A, %swap3A_67] : memref<512x768xi32, #tpu.memory_space<vmem>>, vector<512x768xi32>
    tpu.vector_store %arg5[%swap3A, %swap3A_67], %or3A {strides = array<i32>} : memref<512x768xi32, #tpu.memory_space<vmem>>, vector<512x768xi32>,
    return
  }
  func.func @transform_0(%arg0: i32) -> (i32, i32) {
    %c0_i32 = arith.constant 0 : i32
    %c0_i32_0 = arith.constant 0 : i32
    return %arg0, %c0_i32 : i32, i32
  }
  func.func @transform_1(%arg0: i32) -> (i32, i32, i32) {
    %c0_i32 = arith.constant 0 : i32
    %c0_i32_0 = arith.constant 0 : i32
    %c0_i32_1 = arith.constant 0 : i32
    return %arg0, %c0_i32, %c0_i32_0 : i32, i32, i32
  }
  func.func @transform_2(%arg0: i32) -> (i32, i32) {
    %c0_i32 = arith.constant 0 : i32
    %c0_i32_0 = arith.constant 0 : i32
    %c0_i32_1 = arith.constant 0 : i32
    return %c0_i32, %c0_i32_0 : i32, i32
  }
  func.func @transform_3(%arg0: i32) -> (i32, i32) {
    %c0_i32 = arith.constant 0 : i32
    %c0_i32_0 = arith.constant 0 : i32
    %c0_i32_1 = arith.constant 0 : i32
    return %c0_i32, %c0_i32_0 : i32, i32
  }
  func.func @transform_4(%arg0: i32) -> (i32, i32) {
    %c0_i32 = arith.constant 0 : i32
    %c0_i32_0 = arith.constant 0 : i32
    return %arg0, %c0_i32 : i32, i32
  }
}

module attributes {stable_mosaic.version = 14 : i64} {
  func.func @_fine_body(%arg0: i32, %arg1: memref<1024x4x256xf32, #tpu.memory_space<vmem>>, %arg2: memref<1024x512xf32, #tpu.memory_space<vmem>>, %arg3: memref<1024x768xi32, #tpu.memory_space<vmem>>, %arg4: memref<256x256xbf16, #tpu.memory_space<vmem>>, %arg5: memref<512x512xbf16, #tpu.memory_space<vmem>>, %arg6: memref<256x512xbf16, #tpu.memory_space<vmem>>, %arg7: memref<1x512xf32, #tpu.memory_space<vmem>>, %arg8: memref<1x512xf32, #tpu.memory_space<vmem>>, %arg9: memref<1x512xf32, #tpu.memory_space<vmem>>, %arg10: memref<512x512xbf16, #tpu.memory_space<vmem>>, %arg11: memref<1024x512xf32, #tpu.memory_space<vmem>>) attributes {dimension_semantics = [#tpu.dimension_semantics<arbitrary>], iteration_bounds = array<i64: 49>, scalar_prefetch = 0 : i64, scratch_operands = 0 : i64, tpu.core_type = #tpu.core_type<tc>, window_params = [{transform_indices = @transform_0, window_bounds = array<i64: 1024, 4, 256>}, {transform_indices = @transform_1, window_bounds = array<i64: 1024, 512>}, {transform_indices = @transform_2, window_bounds = array<i64: 1024, 768>}, {pipeline_mode = #tpu.pipeline_mode<synchronous>, transform_indices = @transform_3, window_bounds = array<i64: 256, 256>}, {pipeline_mode = #tpu.pipeline_mode<synchronous>, transform_indices = @transform_4, window_bounds = array<i64: 512, 512>}, {pipeline_mode = #tpu.pipeline_mode<synchronous>, transform_indices = @transform_5, window_bounds = array<i64: 256, 512>}, {pipeline_mode = #tpu.pipeline_mode<synchronous>, transform_indices = @transform_6, window_bounds = array<i64: 1, 512>}, {pipeline_mode = #tpu.pipeline_mode<synchronous>, transform_indices = @transform_7, window_bounds = array<i64: 1, 512>}, {pipeline_mode = #tpu.pipeline_mode<synchronous>, transform_indices = @transform_8, window_bounds = array<i64: 1, 512>}, {pipeline_mode = #tpu.pipeline_mode<synchronous>, transform_indices = @transform_9, window_bounds = array<i64: 512, 512>}, {transform_indices = @transform_10, window_bounds = array<i64: 1024, 512>}]} {
    %get3A = arith.constant 0 : index
    %get3A_0 = arith.constant 0 : index
    %get3A_1 = arith.constant 0 : index
    %get3A_2 = vector.load %arg1[%get3A, %get3A_0, %get3A_1] : memref<1024x4x256xf32, #tpu.memory_space<vmem>>, vector<1024x4x256xf32>
    %convert_element_type3A = arith.truncf %get3A_2 : vector<1024x4x256xf32> to vector<1024x4x256xbf16>
    %get3A_3 = arith.constant 0 : index
    %get3A_4 = arith.constant 0 : index
    %get3A_5 = vector.load %arg3[%get3A_3, %get3A_4] : memref<1024x768xi32, #tpu.memory_space<vmem>>, vector<1024x768xi32>
    %shift_left3A = arith.constant 16 : i32
    %shift_left3A_6 = vector.broadcast %shift_left3A : i32 to vector<1024x768xi32>
    %shift_left3A_7 = arith.shli %get3A_5, %shift_left3A_6 : vector<1024x768xi32>
    %bitcast_convert_type3A = tpu.bitcast %shift_left3A_7 : vector<1024x768xi32> -> vector<1024x768xf32>
    %shift_right_arithmetic3A = arith.constant 16 : i32
    %shift_right_arithmetic3A_8 = vector.broadcast %shift_right_arithmetic3A : i32 to vector<1024x768xi32>
    %shift_right_arithmetic3A_9 = arith.shrsi %get3A_5, %shift_right_arithmetic3A_8 : vector<1024x768xi32>
    %shift_left3A_10 = arith.constant 16 : i32
    %shift_left3A_11 = vector.broadcast %shift_left3A_10 : i32 to vector<1024x768xi32>
    %shift_left3A_12 = arith.shli %shift_right_arithmetic3A_9, %shift_left3A_11 : vector<1024x768xi32>
    %bitcast_convert_type3A_13 = tpu.bitcast %shift_left3A_12 : vector<1024x768xi32> -> vector<1024x768xf32>
    %slice3A = vector.extract_strided_slice %bitcast_convert_type3A {offsets = [0, 0], sizes = [1024, 512], strides = [1, 1]} : vector<1024x768xf32> to vector<1024x512xf32>
    %slice3A_14 = vector.extract_strided_slice %bitcast_convert_type3A {offsets = [0, 512], sizes = [1024, 256], strides = [1, 1]} : vector<1024x768xf32> to vector<1024x256xf32>
    %slice3A_15 = vector.extract_strided_slice %bitcast_convert_type3A_13 {offsets = [0, 0], sizes = [1024, 256], strides = [1, 1]} : vector<1024x768xf32> to vector<1024x256xf32>
    %slice3A_16 = vector.extract_strided_slice %bitcast_convert_type3A_13 {offsets = [0, 256], sizes = [1024, 256], strides = [1, 1]} : vector<1024x768xf32> to vector<1024x256xf32>
    %slice3A_17 = vector.extract_strided_slice %bitcast_convert_type3A_13 {offsets = [0, 512], sizes = [1024, 256], strides = [1, 1]} : vector<1024x768xf32> to vector<1024x256xf32>
    %get3A_18 = arith.constant 0 : index
    %get3A_19 = arith.constant 0 : index
    %get3A_20 = vector.load %arg2[%get3A_18, %get3A_19] : memref<1024x512xf32, #tpu.memory_space<vmem>>, vector<1024x512xf32>
    %convert_element_type3A_21 = arith.truncf %get3A_20 : vector<1024x512xf32> to vector<1024x512xbf16>
    %get3A_22 = arith.constant 0 : index
    %get3A_23 = arith.constant 0 : index
    %get3A_24 = vector.load %arg5[%get3A_22, %get3A_23] : memref<512x512xbf16, #tpu.memory_space<vmem>>, vector<512x512xbf16>
    %dot_general3A = arith.constant dense<0.000000e+00> : vector<1024x512xf32>
    %dot_general3A_25 = tpu.matmul %convert_element_type3A_21, %get3A_24, %dot_general3A {dimension_numbers = #tpu.dot_dimension_numbers<[1], [0], [0], [1], [0, 0, 1, 1], [], []>, transpose_lhs_hint = false} : vector<1024x512xbf16>, vector<512x512xbf16>, vector<1024x512xf32> -> vector<1024x512xf32>
    %add3A = arith.addf %slice3A, %dot_general3A_25 : vector<1024x512xf32>
    %slice3A_26 = vector.extract_strided_slice %convert_element_type3A {offsets = [0, 0, 0], sizes = [1024, 1, 256], strides = [1, 1, 1]} : vector<1024x4x256xbf16> to vector<1024x1x256xbf16>
    %squeeze3A = vector.shape_cast %slice3A_26 : vector<1024x1x256xbf16> to vector<1024x256xbf16>
    %get3A_27 = arith.constant 0 : index
    %get3A_28 = arith.constant 0 : index
    %get3A_29 = vector.load %arg4[%get3A_27, %get3A_28] : memref<256x256xbf16, #tpu.memory_space<vmem>>, vector<256x256xbf16>
    %dot_general3A_30 = arith.constant dense<0.000000e+00> : vector<1024x256xf32>
    %dot_general3A_31 = tpu.matmul %squeeze3A, %get3A_29, %dot_general3A_30 {dimension_numbers = #tpu.dot_dimension_numbers<[1], [0], [0], [1], [0, 0, 1, 1], [], []>, transpose_lhs_hint = false} : vector<1024x256xbf16>, vector<256x256xbf16>, vector<1024x256xf32> -> vector<1024x256xf32>
    %mul3A = arith.mulf %dot_general3A_31, %slice3A_14 : vector<1024x256xf32>
    %slice3A_32 = vector.extract_strided_slice %convert_element_type3A {offsets = [0, 1, 0], sizes = [1024, 1, 256], strides = [1, 1, 1]} : vector<1024x4x256xbf16> to vector<1024x1x256xbf16>
    %squeeze3A_33 = vector.shape_cast %slice3A_32 : vector<1024x1x256xbf16> to vector<1024x256xbf16>
    %get3A_34 = arith.constant 0 : index
    %get3A_35 = arith.constant 0 : index
    %get3A_36 = vector.load %arg4[%get3A_34, %get3A_35] : memref<256x256xbf16, #tpu.memory_space<vmem>>, vector<256x256xbf16>
    %dot_general3A_37 = arith.constant dense<0.000000e+00> : vector<1024x256xf32>
    %dot_general3A_38 = tpu.matmul %squeeze3A_33, %get3A_36, %dot_general3A_37 {dimension_numbers = #tpu.dot_dimension_numbers<[1], [0], [0], [1], [0, 0, 1, 1], [], []>, transpose_lhs_hint = false} : vector<1024x256xbf16>, vector<256x256xbf16>, vector<1024x256xf32> -> vector<1024x256xf32>
    %mul3A_39 = arith.mulf %dot_general3A_38, %slice3A_15 : vector<1024x256xf32>
    %add3A_40 = arith.addf %mul3A, %mul3A_39 : vector<1024x256xf32>
    %slice3A_41 = vector.extract_strided_slice %convert_element_type3A {offsets = [0, 2, 0], sizes = [1024, 1, 256], strides = [1, 1, 1]} : vector<1024x4x256xbf16> to vector<1024x1x256xbf16>
    %squeeze3A_42 = vector.shape_cast %slice3A_41 : vector<1024x1x256xbf16> to vector<1024x256xbf16>
    %get3A_43 = arith.constant 0 : index
    %get3A_44 = arith.constant 0 : index
    %get3A_45 = vector.load %arg4[%get3A_43, %get3A_44] : memref<256x256xbf16, #tpu.memory_space<vmem>>, vector<256x256xbf16>
    %dot_general3A_46 = arith.constant dense<0.000000e+00> : vector<1024x256xf32>
    %dot_general3A_47 = tpu.matmul %squeeze3A_42, %get3A_45, %dot_general3A_46 {dimension_numbers = #tpu.dot_dimension_numbers<[1], [0], [0], [1], [0, 0, 1, 1], [], []>, transpose_lhs_hint = false} : vector<1024x256xbf16>, vector<256x256xbf16>, vector<1024x256xf32> -> vector<1024x256xf32>
    %mul3A_48 = arith.mulf %dot_general3A_47, %slice3A_16 : vector<1024x256xf32>
    %add3A_49 = arith.addf %add3A_40, %mul3A_48 : vector<1024x256xf32>
    %slice3A_50 = vector.extract_strided_slice %convert_element_type3A {offsets = [0, 3, 0], sizes = [1024, 1, 256], strides = [1, 1, 1]} : vector<1024x4x256xbf16> to vector<1024x1x256xbf16>
    %squeeze3A_51 = vector.shape_cast %slice3A_50 : vector<1024x1x256xbf16> to vector<1024x256xbf16>
    %get3A_52 = arith.constant 0 : index
    %get3A_53 = arith.constant 0 : index
    %get3A_54 = vector.load %arg4[%get3A_52, %get3A_53] : memref<256x256xbf16, #tpu.memory_space<vmem>>, vector<256x256xbf16>
    %dot_general3A_55 = arith.constant dense<0.000000e+00> : vector<1024x256xf32>
    %dot_general3A_56 = tpu.matmul %squeeze3A_51, %get3A_54, %dot_general3A_55 {dimension_numbers = #tpu.dot_dimension_numbers<[1], [0], [0], [1], [0, 0, 1, 1], [], []>, transpose_lhs_hint = false} : vector<1024x256xbf16>, vector<256x256xbf16>, vector<1024x256xf32> -> vector<1024x256xf32>
    %mul3A_57 = arith.mulf %dot_general3A_56, %slice3A_17 : vector<1024x256xf32>
    %add3A_58 = arith.addf %add3A_49, %mul3A_57 : vector<1024x256xf32>
    %mul3A_59 = arith.constant 2.500000e-01 : f32
    %mul3A_60 = vector.broadcast %mul3A_59 : f32 to vector<1024x256xf32>
    %mul3A_61 = arith.mulf %add3A_58, %mul3A_60 : vector<1024x256xf32>
    %convert_element_type3A_62 = arith.truncf %mul3A_61 : vector<1024x256xf32> to vector<1024x256xbf16>
    %get3A_63 = arith.constant 0 : index
    %get3A_64 = arith.constant 0 : index
    %get3A_65 = vector.load %arg6[%get3A_63, %get3A_64] : memref<256x512xbf16, #tpu.memory_space<vmem>>, vector<256x512xbf16>
    %dot_general3A_66 = arith.constant dense<0.000000e+00> : vector<1024x512xf32>
    %dot_general3A_67 = tpu.matmul %convert_element_type3A_62, %get3A_65, %dot_general3A_66 {dimension_numbers = #tpu.dot_dimension_numbers<[1], [0], [0], [1], [0, 0, 1, 1], [], []>, transpose_lhs_hint = false} : vector<1024x256xbf16>, vector<256x512xbf16>, vector<1024x512xf32> -> vector<1024x512xf32>
    %add3A_68 = arith.addf %add3A, %dot_general3A_67 : vector<1024x512xf32>
    %get3A_69 = arith.constant 0 : index
    %get3A_70 = arith.constant 0 : index
    %get3A_71 = vector.load %arg7[%get3A_69, %get3A_70] : memref<1x512xf32, #tpu.memory_space<vmem>>, vector<1x512xf32>
    %add3A_72 = vector.broadcast %get3A_71 : vector<1x512xf32> to vector<1024x512xf32>
    %add3A_73 = arith.addf %add3A_68, %add3A_72 : vector<1024x512xf32>
    %convert_element_type3A_74 = arith.truncf %add3A_73 : vector<1024x512xf32> to vector<1024x512xbf16>
    %get3A_75 = arith.constant 0 : index
    %get3A_76 = arith.constant 0 : index
    %get3A_77 = vector.load %arg10[%get3A_75, %get3A_76] : memref<512x512xbf16, #tpu.memory_space<vmem>>, vector<512x512xbf16>
    %dot_general3A_78 = arith.constant dense<0.000000e+00> : vector<1024x512xf32>
    %dot_general3A_79 = tpu.matmul %convert_element_type3A_74, %get3A_77, %dot_general3A_78 {dimension_numbers = #tpu.dot_dimension_numbers<[1], [0], [0], [1], [0, 0, 1, 1], [], []>, transpose_lhs_hint = false} : vector<1024x512xbf16>, vector<512x512xbf16>, vector<1024x512xf32> -> vector<1024x512xf32>
    %mul3A_80 = arith.mulf %add3A_73, %add3A_73 : vector<1024x512xf32>
    %convert_element_type3A_81 = arith.truncf %mul3A_80 : vector<1024x512xf32> to vector<1024x512xbf16>
    %get3A_82 = arith.constant 0 : index
    %get3A_83 = arith.constant 0 : index
    %get3A_84 = vector.load %arg10[%get3A_82, %get3A_83] : memref<512x512xbf16, #tpu.memory_space<vmem>>, vector<512x512xbf16>
    %dot_general3A_85 = arith.constant dense<0.000000e+00> : vector<1024x512xf32>
    %dot_general3A_86 = tpu.matmul %convert_element_type3A_81, %get3A_84, %dot_general3A_85 {dimension_numbers = #tpu.dot_dimension_numbers<[1], [0], [0], [1], [0, 0, 1, 1], [], []>, transpose_lhs_hint = false} : vector<1024x512xbf16>, vector<512x512xbf16>, vector<1024x512xf32> -> vector<1024x512xf32>
    %mul3A_87 = arith.mulf %dot_general3A_79, %dot_general3A_79 : vector<1024x512xf32>
    %sub3A = arith.subf %dot_general3A_86, %mul3A_87 : vector<1024x512xf32>
    %sub3A_88 = arith.subf %add3A_73, %dot_general3A_79 : vector<1024x512xf32>
    %add3A_89 = arith.constant 9.99999974E-6 : f32
    %add3A_90 = vector.broadcast %add3A_89 : f32 to vector<1024x512xf32>
    %add3A_91 = arith.addf %sub3A, %add3A_90 : vector<1024x512xf32>
    %rsqrt3A = math.rsqrt %add3A_91 : vector<1024x512xf32>
    %mul3A_92 = arith.mulf %sub3A_88, %rsqrt3A : vector<1024x512xf32>
    %get3A_93 = arith.constant 0 : index
    %get3A_94 = arith.constant 0 : index
    %get3A_95 = vector.load %arg8[%get3A_93, %get3A_94] : memref<1x512xf32, #tpu.memory_space<vmem>>, vector<1x512xf32>
    %mul3A_96 = vector.broadcast %get3A_95 : vector<1x512xf32> to vector<1024x512xf32>
    %mul3A_97 = arith.mulf %mul3A_92, %mul3A_96 : vector<1024x512xf32>
    %get3A_98 = arith.constant 0 : index
    %get3A_99 = arith.constant 0 : index
    %get3A_100 = vector.load %arg9[%get3A_98, %get3A_99] : memref<1x512xf32, #tpu.memory_space<vmem>>, vector<1x512xf32>
    %add3A_101 = vector.broadcast %get3A_100 : vector<1x512xf32> to vector<1024x512xf32>
    %add3A_102 = arith.addf %mul3A_97, %add3A_101 : vector<1024x512xf32>
    %ge3A = arith.constant 0.000000e+00 : f32
    %ge3A_103 = vector.broadcast %ge3A : f32 to vector<1024x512xf32>
    %ge3A_104 = arith.cmpf oge, %add3A_102, %ge3A_103 : vector<1024x512xf32>
    %mul3A_105 = arith.constant 1.000000e-01 : f32
    %mul3A_106 = vector.broadcast %mul3A_105 : f32 to vector<1024x512xf32>
    %mul3A_107 = arith.mulf %mul3A_106, %add3A_102 : vector<1024x512xf32>
    %select_n3A = arith.select %ge3A_104, %add3A_102, %mul3A_107 : vector<1024x512xi1>, vector<1024x512xf32>
    %swap3A = arith.constant 0 : index
    %swap3A_108 = arith.constant 0 : index
    %swap3A_109 = vector.load %arg11[%swap3A, %swap3A_108] : memref<1024x512xf32, #tpu.memory_space<vmem>>, vector<1024x512xf32>
    tpu.vector_store %arg11[%swap3A, %swap3A_108], %select_n3A {strides = array<i32>} : memref<1024x512xf32, #tpu.memory_space<vmem>>, vector<1024x512xf32>,
    return
  }
  func.func @transform_0(%arg0: i32) -> (i32, i32, i32) {
    %c0_i32 = arith.constant 0 : i32
    %c0_i32_0 = arith.constant 0 : i32
    %c0_i32_1 = arith.constant 0 : i32
    return %arg0, %c0_i32, %c0_i32_0 : i32, i32, i32
  }
  func.func @transform_1(%arg0: i32) -> (i32, i32) {
    %c0_i32 = arith.constant 0 : i32
    %c0_i32_0 = arith.constant 0 : i32
    return %arg0, %c0_i32 : i32, i32
  }
  func.func @transform_2(%arg0: i32) -> (i32, i32) {
    %c0_i32 = arith.constant 0 : i32
    %c0_i32_0 = arith.constant 0 : i32
    return %arg0, %c0_i32 : i32, i32
  }
  func.func @transform_3(%arg0: i32) -> (i32, i32) {
    %c0_i32 = arith.constant 0 : i32
    %c0_i32_0 = arith.constant 0 : i32
    %c0_i32_1 = arith.constant 0 : i32
    return %c0_i32, %c0_i32_0 : i32, i32
  }
  func.func @transform_4(%arg0: i32) -> (i32, i32) {
    %c0_i32 = arith.constant 0 : i32
    %c0_i32_0 = arith.constant 0 : i32
    %c0_i32_1 = arith.constant 0 : i32
    return %c0_i32, %c0_i32_0 : i32, i32
  }
  func.func @transform_5(%arg0: i32) -> (i32, i32) {
    %c0_i32 = arith.constant 0 : i32
    %c0_i32_0 = arith.constant 0 : i32
    %c0_i32_1 = arith.constant 0 : i32
    return %c0_i32, %c0_i32_0 : i32, i32
  }
  func.func @transform_6(%arg0: i32) -> (i32, i32) {
    %c0_i32 = arith.constant 0 : i32
    %c0_i32_0 = arith.constant 0 : i32
    %c0_i32_1 = arith.constant 0 : i32
    return %c0_i32, %c0_i32_0 : i32, i32
  }
  func.func @transform_7(%arg0: i32) -> (i32, i32) {
    %c0_i32 = arith.constant 0 : i32
    %c0_i32_0 = arith.constant 0 : i32
    %c0_i32_1 = arith.constant 0 : i32
    return %c0_i32, %c0_i32_0 : i32, i32
  }
  func.func @transform_8(%arg0: i32) -> (i32, i32) {
    %c0_i32 = arith.constant 0 : i32
    %c0_i32_0 = arith.constant 0 : i32
    %c0_i32_1 = arith.constant 0 : i32
    return %c0_i32, %c0_i32_0 : i32, i32
  }
  func.func @transform_9(%arg0: i32) -> (i32, i32) {
    %c0_i32 = arith.constant 0 : i32
    %c0_i32_0 = arith.constant 0 : i32
    %c0_i32_1 = arith.constant 0 : i32
    return %c0_i32, %c0_i32_0 : i32, i32
  }
  func.func @transform_10(%arg0: i32) -> (i32, i32) {
    %c0_i32 = arith.constant 0 : i32
    %c0_i32_0 = arith.constant 0 : i32
    return %arg0, %c0_i32 : i32, i32
  }
}

</mosaic_0001>

<sc_bundles>
// kernel: kernel.5.cloned.1.call-start
scs
__scs_entry_jumppad:
0x0: {  	(pc) =	sbr.rel $0x88, $3  }
0x1: {  	(tag) =	ssettag $0x0;
	lr =	simm.s32 $0x1  }
0x2: {  	[smem:$0x3F96] =	sst lr;
	_ =	strace $0xD0000000  }
0x3: {  	_ = 	snop  }
0x4: {  	_ = 	snop  }
0x5: {  	_ = 	snop  }
0x6: {  	_ = 	snop  }
0x7: {  	_ = 	snop  }
__scs_overlays_trampoline_lowered:
0x8: {  	[smem:$0x3FA5] =	sst s0  }
0x9: {  	[smem:$0x3FA6] =	sst s1  }
0xa: {  	[smem:$0x3FA7] =	sst s2  }
0xb: {  	[smem:$0x3FA8] =	sst s3  }
0xc: {  	[smem:$0x3FA9] =	sst s4  }
0xd: {  	[smem:$0x3FAA] =	sst s5  }
0xe: {  	[smem:$0x3FAB] =	sst s6  }
0xf: {  	[smem:$0x3FAC] =	sst s7  }
0x10: {  	[smem:$0x3FAD] =	sst s8  }
0x11: {  	[smem:$0x3FAE] =	sst s9;
	s0 =	simm.s32 @!p0 $0x0  }
0x12: {  	s1 =	sld [smem:$0x3F94];
	s0 =	simm.s32 @p0 $0x1  }
0x13: {  	[smem:$0x3FAF] =	sst s0;
	s0 =	simm.s32 @!p1 $0x0  }
0x14: {  	s2 =	sld [smem:$0x3F93];
	s0 =	simm.s32 @p1 $0x1  }
0x15: {  	[smem:$0x3FB0] =	sst s0;
	s0 =	simm.s32 @!p2 $0x0  }
0x16: {  	s3 =	sld [smem:$0x3FDB];
	s0 =	simm.s32 @p2 $0x1  }
0x17: {  	s4 =	simm.s32 $0x1BF5;
	[smem:$0x3FB2] =	sst s0  }
0x18: {  	s0 =	sld [smem:$0x3F95];
	_ =	swait.ge [sflag:s4], $0x0  }
0x19: {  	s7 =	sld [smem:$0x3F96]  }
0x1a: {  	s8 =	sadd.s32 $0xFFFFE003, lr  }
0x1b: {  	s9 =	sadd.s32 $0xFFFFFEF7, lr;
	s5 =	simm.s32 $0xFFFFFFFF;
	p2 =	slt.u32 s8, $0xFFFFF086  }
0x1c: {  	p1 =	slt.u32 s9, $0xF7A;
	s5 =	simm.s32 @!p2 $0x0  }
0x1d: {  	s5 =	simm.s32 @p1 $0x1;
	p0 =	seq.s32 s7, s2  }
0x1e: {  	s7 =	smul.u32 @!p0 $0xF7A, s2;
	p2 =	seq.s32 @!p0 s5, $0x0  }
0x1f: {  	s9 =	smul.u32 $0xF7A, s1;
	s8 =	simm.s32 @!p0 $0x1BF5;
	p2 =	por !p2, p0  }
0x20: {  	[sflag:s8] =	ssyncset.s32 @!p0 $0xFFFFF086;
	s6 =	sadd.s32 @!p0 s3, s7;
	s7 =	simm.s32 @!p0 $0x108  }
0x21: {  	s3 =	sadd.s32 s3, s9;
	s6 =	sadd.s32 @!p0 $0x88, s6;
	s7 =	simm.s32 @p2 $0x1082  }
0x22: {  	[simem:s7], [sflag:s8] =	dma.local @!p0 [hbm:s6], $0xF7A  }
0x23: {  	s9 =	sor.u32 $0xD0000000, s2;
	s6 =	simm.s32 $0x108;
	_ =	swait.ge @!p0 [sflag:s8], $0x0  }
0x24: {  	s3 =	sadd.s32 $0x88, s3;
	s6 =	simm.s32 @!p1 $0x1082;
	[sflag:s4] =	ssyncset.s32 $0xFFFFF086  }
0x25: {  	[simem:s6], [sflag:s4] =	dma.local [hbm:s3], $0xF7A  }
0x26: {  	[smem:$0x3F96] =	sst s1;
	(tag) =	ssettag s2;
	_ =	strace s9  }
0x27: {  	s1 =	sld [smem:$0x3FA6]  }
0x28: {  	s2 =	sld [smem:$0x3FA7]  }
0x29: {  	s4 =	sld [smem:$0x3FA9]  }
0x2a: {  	p0 =	seq.s32 s5, $0x0;
	s5 =	sld [smem:$0x3FAA]  }
0x2b: {  	s6 =	sld [smem:$0x3FAB]  }
0x2c: {  	s7 =	sld [smem:$0x3FAC]  }
0x2d: {  	s3 =	simm.s32 $0x108;
	s8 =	sld [smem:$0x3FAD]  }
0x2e: {  	s3 =	simm.s32 @!p0 $0x1082;
	s9 =	sld [smem:$0x3FAE]  }
0x2f: {  	lr =	sadd.s32 s0, s3;
	s0 =	sld [smem:$0x3FA5]  }
0x30: {  	s3 =	sld [smem:$0x3FA8]  }
0x31: {  	[smem:$0x3FB1] =	sst s10  }
0x32: {  	s10 =	sld [smem:$0x3FAF];
	_ =	sdelay $0x3  }
0x33: {  	p0 =	seq.s32 s10, $0x1;
	s10 =	sld [smem:$0x3FB1];
	_ =	sdelay $0x3  }
0x34: {  	[smem:$0x3FB1] =	sst s10  }
0x35: {  	s10 =	sld [smem:$0x3FB0];
	_ =	sdelay $0x3  }
0x36: {  	p1 =	seq.s32 s10, $0x1;
	s10 =	sld [smem:$0x3FB1];
	_ =	sdelay $0x3  }
0x37: {  	[smem:$0x3FB1] =	sst s10  }
0x38: {  	s10 =	sld [smem:$0x3FB2]  }
0x39: {  	_ = 	snop;
	(pc) =	sbr.ind lr, $3  }
0x3a: {  	_ = 	snop  }
0x3b: {  	_ = 	snop  }
0x3c: {  	p2 =	seq.s32 s10, $0x1;
	s10 =	sld [smem:$0x3FB1]  }
0x3d: {  	_ =	shalt  }
0x3e: {  	_ =	shalt  }
0x3f: {  	_ =	shalt  }
0x40: {  	_ =	shalt  }
0x41: {  	_ =	shalt  }
0x42: {  	_ =	shalt  }
0x43: {  	_ =	shalt  }
0x44: {  	_ =	shalt  }
0x45: {  	_ =	shalt  }
0x46: {  	_ =	shalt  }
0x47: {  	_ =	shalt  }
0x48: {  	_ =	shalt  }
0x49: {  	_ =	shalt  }
0x4a: {  	_ =	shalt  }
0x4b: {  	_ =	shalt  }
0x4c: {  	_ =	shalt  }
0x4d: {  	_ =	shalt  }
0x4e: {  	_ =	shalt  }
0x4f: {  	_ =	shalt  }
0x50: {  	_ =	shalt  }
0x51: {  	_ =	shalt  }
0x52: {  	_ =	shalt  }
0x53: {  	_ =	shalt  }
0x54: {  	_ =	shalt  }
0x55: {  	_ =	shalt  }
0x56: {  	_ =	shalt  }
0x57: {  	_ =	shalt  }
0x58: {  	_ =	shalt  }
0x59: {  	_ =	shalt  }
0x5a: {  	_ =	shalt  }
0x5b: {  	_ =	shalt  }
0x5c: {  	_ =	shalt  }
0x5d: {  	_ =	shalt  }
0x5e: {  	_ =	shalt  }
0x5f: {  	_ =	shalt  }
0x60: {  	_ =	shalt  }
0x61: {  	_ =	shalt  }
0x62: {  	_ =	shalt  }
0x63: {  	_ =	shalt  }
0x64: {  	_ =	shalt  }
0x65: {  	_ =	shalt  }
0x66: {  	_ =	shalt  }
0x67: {  	_ =	shalt  }
0x68: {  	_ =	shalt  }
0x69: {  	_ =	shalt  }
0x6a: {  	_ =	shalt  }
0x6b: {  	_ =	shalt  }
0x6c: {  	_ =	shalt  }
0x6d: {  	_ =	shalt  }
0x6e: {  	_ =	shalt  }
0x6f: {  	_ =	shalt  }
0x70: {  	_ =	shalt  }
0x71: {  	_ =	shalt  }
0x72: {  	_ =	shalt  }
0x73: {  	_ =	shalt  }
0x74: {  	_ =	shalt  }
0x75: {  	_ =	shalt  }
0x76: {  	_ =	shalt  }
0x77: {  	_ =	shalt  }
0x78: {  	_ =	shalt  }
0x79: {  	_ =	shalt  }
0x7a: {  	_ =	shalt  }
0x7b: {  	_ =	shalt  }
0x7c: {  	_ =	shalt  }
0x7d: {  	_ =	shalt  }
0x7e: {  	_ =	shalt  }
0x7f: {  	_ =	shalt  }
0x80: {  	_ =	shalt  }
0x81: {  	_ =	shalt  }
0x82: {  	_ =	shalt  }
0x83: {  	_ =	shalt  }
0x84: {  	_ =	shalt  }
0x85: {  	_ =	shalt  }
0x86: {  	_ =	shalt  }
0x87: {  	_ =	shalt  }
.Lfunc_end0:
.L_simem_size_0:
called_computation_lowered:
.L_overlay_start_0:
0x88: {  	s2 =	sld [smem:$0x3FD9]  }
0x89: {  	s3 =	sld [smem:$0x3FFE];
	_ =	sdelay $0x1  }
0x8a: {  	s1 =	srdreg.scid  }
0x8b: {  	s0 =	sand.u32 $0x1, s1  }
0x8c: {  	s17 =	sshll.u32 s0, $0xA;
	s2 =	sadd.s32 s3, s2  }
0x8d: {  	s2 =	sadd.s32 s2, s17  }
0x8e: {  	[smem:$0x3FBD] =	sst s2  }
0x8f: {  	_ = 	snop  }
0x90: {  	s2 =	sld [smem:$0x3FD0];
	(tm) =	ssettm $0x1  }
0x91: {  	s18 =	sld [smem:$0x3FFB];
	_ =	sdelay $0x3  }
0x92: {  	_ =	strace s18  }
0x93: {  	s3 =	sld [smem:$0x3FFC];
	_ =	sdelay $0x3  }
0x94: {  	_ =	strace s3  }
0x95: {  	s3 =	sld [smem:$0x3FFD];
	_ =	sdelay $0x3  }
0x96: {  	_ =	strace s3  }
0x97: {  	_ =	strace $0x8FFFFFFF  }
0x98: {  	s19 =	sld [smem:$0x3FDB];
	_ =	sdelay $0x1  }
0x99: {  	s4 =	simm.s32 $_scs_section_size  }
0x9a: {  	s5 =	simm.s32 $_size__tile_overlayer_lowered;
	s6 =	simm.s32 $_tile_overlayer_lowered  }
0x9b: {  	s22 =	simm.s32 $0x1BFF;
	s21 =	sshll.u32 s6, $0x1;
	s3 =	sadd.s32 s4, s19  }
0x9c: {  	s7 =	simm.s32 $0x0;
	s20 =	sshll.u32 s5, $0x1;
	s5 =	sadd.s32 s21, s3  }
0x9d: {  	[timem:s7], [sflag:s22] =	dma.local [hbm:s5], s20  }
0x9e: {  	_ =	swait.ge [sflag:s22], s20  }
0x9f: {  	s4 =	ssub.s32 $0x0, s20;
	[sflag:s22] =	ssyncset.done $0x0  }
0xa0: {  	[sflag:s22] =	ssyncadd.s32 s4;
	_ =	sdelay $0x1  }
0xa1: {  	s23 =	simm.s32 $0x1B8B  }
0xa2: {  	_ =	swait.ge [sflag:s23], $0x1  }
0xa3: {  	[sflag:s23] =	ssyncset.done $0x0  }
0xa4: {  	s25 =	simm.s32 $0x1B8E;
	s24 =	sld [smem:$0x3FFE];
	[sflag:s23] =	ssyncadd.s32 $0xFFFFFFFF  }
0xa5: {  	s26 =	simm.s32 $execute0_lowered;
	[smem:$0x3FD2] =	sst s25  }
0xa6: {  	s5 =	sshll.u32 s26, $0x1;
	_ =	strace $0x80000046;
	[dreg:$0x1] =	wrdreg $0xFFFFFFFF  }
0xa7: {  	s28 =	simm.s32 $_size_execute0_lowered;
	s3 =	sadd.s32 s3, s5;
	[dreg:$0x0] =	wrdreg $0x0  }
0xa8: {  	s5 =	sshll.u32 s28, $0x1;
	[dreg:$0x2] =	wrdreg s3  }
0xa9: {  	[dreg:$0x3] =	wrdreg s5  }
0xaa: {  	[dreg:$0x4] =	wrdreg $0xC0  }
0xab: {  	_ =	task [dreg:s7], $0x5FFFF  }
0xac: {  	[dreg:$0x1] =	wrdreg $0xFFFFFFFF  }
0xad: {  	[dreg:$0x0] =	wrdreg $0x60  }
0xae: {  	[dreg:$0x2] =	wrdreg s2  }
0xaf: {  	[dreg:$0x3] =	wrdreg s24  }
0xb0: {  	[dreg:$0x4] =	wrdreg $0x9  }
0xb1: {  	_ =	task.clear_ibuf [dreg:s7], $0x5FFFF;
	_ =	strace $0x90000046  }
0xb2: {  	s29 =	simm.s32 $0x9;
	_ =	strace $0x80000048  }
0xb3: {  	_ =	swait.ge [sflag:s29], $0x1  }
0xb4: {  	[sflag:s29] =	ssyncadd.s32 $0xFFFFFFFF  }
0xb5: {  	_ =	strace $0x90000048  }
0xb6: {  	_ =	sfence  }
0xb7: {  	s30 =	sld [smem:$0x0];
	_ =	sdelay $0x2  }
0xb8: {  	s31 =	sshll.u32 s1, $0xD;
	s1 =	sshrl.u32 s1, $0x2  }
0xb9: {  	s3 =	sand.u32 $0x4000, s31;
	s1 =	sadd.s32 s1, s30  }
0xba: {  	s0 =	sor.u32 s3, s0;
	s1 =	sshll.u32 s1, $0x11  }
0xbb: {  	s0 =	sor.u32 s1, s0  }
0xbc: {  	s0 =	sadd.s32 $0x8F2B, s0  }
0xbd: {  	[sflag:s0] =	ssyncadd.remote.s32 $0x1  }
0xbe: {  	_ =	sfence.sel $0xFFFF  }
0xbf: {  	[dreg:$0x0] =	wrdreg $0xFFFFFFFF;
	(pc) =	sbr.abs _section_cstart, $3  }
0xc0: {  	[dreg:$0x1] =	wrdreg $0xFFFFFFFF  }
0xc1: {  	_ =	task.clear_ibuf [dreg:s7], $0x2FFFF;
	_ =	strace $0x9FFFFFFF  }
0xc2: {  	(tm) =	ssettm $0x7FFFFFFF  }
0xc3: {  	_ =	shalt  }
tec
execute0_lowered:
.L_overlay_start_1:
0x0: {  	(tag) =	ssettag $0x1  }
0x1: {  	s1 =	srdreg.scid;
	s0 =	stileid.u32  }
0x2: {  	s1 =	sand.u32 $0x1, s1;
	s3 =	smul.u32 $0xC40, s0  }
0x3: {  	s4 =	smul.u32 $0x620, s1;
	_ =	sdelay $0x1  }
0x4: {  	s4 =	sadd.s32 s4, s3  }
0x5: {  	s2 =	rddreg [dreg:$0x0];
	s3 =	sadd.s32 $0x38, s4  }
0x6: {  	s5 =	rddreg [dreg:$0x1];
	s6 =	sshrl.u32 s3, $0x3;
	s3 =	simm.s32 $0x0  }
0x7: {  	s24 =	simm.s32 $0xE80;
	[smem:$0x7FF] =	sst s3  }
0x8: {  	s25 =	simm.s32 $0x1680;
	_ =	strace $0x80000047;
	[dreg:$0x5] =	wrdreg s24  }
0x9: {  	s26 =	simm.s32 $0x1E80;
	[dreg:$0x6] =	wrdreg s25  }
0xa: {  	s31 =	simm.s32 $0x2680;
	[dreg:$0x7] =	wrdreg s26  }
0xb: {  	s8 =	simm.s32 $0x3E80;
	[dreg:$0x8] =	wrdreg s31  }
0xc: {  	s9 =	simm.s32 $0x4680;
	[dreg:$0xb] =	wrdreg s8  }
0xd: {  	s10 =	simm.s32 $0x4E80;
	[dreg:$0xc] =	wrdreg s9  }
0xe: {  	s12 =	simm.s32 $0x5680;
	[dreg:$0xd] =	wrdreg s10  }
0xf: {  	s13 =	simm.s32 $0x5E80;
	[dreg:$0xe] =	wrdreg s12  }
0x10: {  	s14 =	simm.s32 $0x6680;
	[dreg:$0xf] =	wrdreg s13  }
0x11: {  	s15 =	simm.s32 $0x6E80;
	s16 =	simm.s32 $0x7680;
	[dreg:$0x10] =	wrdreg s14  }
0x12: {  	s17 =	simm.s32 $0x7E80;
	s18 =	simm.s32 $0x8680;
	[dreg:$0x11] =	wrdreg s15  }
0x13: {  	s20 =	simm.s32 $0x8E80;
	s21 =	simm.s32 $0x9680;
	[dreg:$0x12] =	wrdreg s16  }
0x14: {  	s23 =	simm.s32 $0x9E80;
	s28 =	simm.s32 $0x1;
	[dreg:$0x13] =	wrdreg s17  }
0x15: {  	s29 =	simm.s32 $0x2;
	s4 =	sshrl.u32 s4, $0x3;
	[dreg:$0x14] =	wrdreg s18  }
0x16: {  	s30 =	simm.s32 $0x0;
	s4 =	smul.u32 $0x300, s4;
	[dreg:$0x15] =	wrdreg s20  }
0x17: {  	s7 =	sadd.s32 $0x10400, s5;
	s11 =	sshll.u32 s0, $0x1;
	[dreg:$0x16] =	wrdreg s21  }
0x18: {  	s6 =	smul.u32 $0x300, s6;
	s4 =	sadd.s32 s4, s7;
	[dreg:$0x17] =	wrdreg s23  }
0x19: {  	s24 =	simm.s32 $0xA680;
	s8 =	simm.s32 $0xB680;
	s25 =	simm.s32 $0xBE80  }
0x1a: {  	s26 =	simm.s32 $0xC680;
	s9 =	simm.s32 $0x680;
	s31 =	simm.s32 $0xCE80  }
0x1b: {  	s10 =	simm.s32 $0xAE80;
	s12 =	simm.s32 $0xDE80;
	[dreg:$0x4] =	wrdreg s4  }
0x1c: {  	s13 =	simm.s32 $0xE680;
	s14 =	simm.s32 $0xEE80;
	[dreg:$0x18] =	wrdreg s24  }
0x1d: {  	s15 =	simm.s32 $0xF680;
	s16 =	simm.s32 $0xFE80;
	[dreg:$0x19] =	wrdreg s8  }
0x1e: {  	s17 =	simm.s32 $0x10680;
	s18 =	simm.s32 $0x10E80;
	[dreg:$0x1a] =	wrdreg s25  }
0x1f: {  	s20 =	simm.s32 $0x11E80;
	s21 =	simm.s32 $0x12680;
	[dreg:$0x1b] =	wrdreg s26  }
0x20: {  	s23 =	simm.s32 $0x13680;
	s6 =	sadd.s32 s6, s7;
	[dreg:$0x1c] =	wrdreg s31  }
0x21: {  	s7 =	simm.s32 $0x3680;
	[dreg:$0x3] =	wrdreg s6;
	s6 =	simm.s32 $0x2E80  }
0x22: {  	s8 =	simm.s32 $0x3;
	[dreg:$0x9] =	wrdreg s6;
	s6 =	sor.u32 s1, s11  }
0x23: {  	s24 =	simm.s32 $0x13E80;
	s25 =	simm.s32 $0x14680;
	s6 =	smul.u32 $0x620, s6  }
0x24: {  	s26 =	simm.s32 $0x14E80;
	[dreg:$0xa] =	wrdreg s7;
	s1 =	ssub.s32 $0x2, s1  }
0x25: {  	s11 =	simm.s32 $0xD680;
	s19 =	sshrl.u32 s1, $0x1;
	s6 =	sshrl.u32 s6, $0x3  }
0x26: {  	v2 =	vlaneseq.u32;
	s1 =	ssub.s32 s1, s19;
	s19 =	simm.s32 $0x11680;
	s5 =	sadd.s32 s6, s5  }
0x27: {  	vm0 =	vmmov $0xffff;
	v1 =	vshrl.u32 v2, $0x3;
	s7 =	smax.u32 s1, $0x1;
	s6 =	sadd.s32 $0x200, s2;
	s22 =	sadd.s32 $0xA00, s5  }
0x28: {  	v0 =	vand.u32 $0x7, v2;
	v2 =	vor.u32 $0x8, v2;
	v1 =	vmul.u32 $0x8, v1;
	s5 =	sadd.s32 $0x100, s2;
	[dreg:$0x1d] =	wrdreg s22;
	s22 =	simm.s32 $0x12E80  }
.LBB2_1:
0x29: {  	s0 =	rddreg [dreg:$0x1d]  }
0x2a: {  	[tilespmem:s3], [sflag:$0x3] =	stream.linear.gather [hbm4b:s0+s3], $0x620, $0x38;
	[tilespmem:$0x15680] =	vst v63  }
0x2b: {  	_ =	swait.ge [sflag:s8], $0x620  }
0x2c: {  	[sflag:s8] =	ssyncset.done $0x0  }
0x2d: {  	s31 =	simm.s32 $0x38;
	s1 =	simm.s32 $0x0;
	[sflag:s8] =	ssyncadd.s32 $0xFFFFF9E0  }
.LBB2_2:
0x2e: {  	v3 =	vld [tilespmem:s31+$0xFFFFFFC8];
	_ =	sdelay $0x4  }
0x2f: {  	v4 =	vshrl.u32 v3, $0x3  }
0x30: {  	v4 =	vmul.u32 $0x30, v4  }
0x31: {  	v3 =	vand.u32 $0x7, v3  }
0x32: {  	v3 =	vor.u32 v3, v4  }
0x33: {  	v4 =	vperm.xlane v3, v0;
	_ =	sdelay $0x1  }
0x34: {  	v4 =	vadd.s32 v1, v4;
	_ =	sdelay $0x3  }
0x35: {  	v3 =	vperm.xlane v3, v2  }
0x36: {  	[tilespmem:s9], [sflag:$0x1] =	stream.indirect_vreg.gather [hbm4b:s2+s3], $0x80, v4, vm0, $0xb8;
	[tilespmem:$0x15680] =	vst v63  }
0x37: {  	s0 =	rddreg [dreg:$0x5];
	v3 =	vadd.s32 v1, v3  }
0x38: {  	[tilespmem:s0], [sflag:$0x1] =	stream.indirect_vreg.gather [hbm4b:s5+s3], $0x80, v4, vm0, $0xb8;
	[tilespmem:$0x15680] =	vst v63  }
0x39: {  	s4 =	rddreg [dreg:$0x6]  }
0x3a: {  	[tilespmem:s4], [sflag:$0x1] =	stream.indirect_vreg.gather [hbm4b:s6+s3], $0x80, v4, vm0, $0xb8;
	[tilespmem:$0x15680] =	vst v63  }
0x3b: {  	s0 =	rddreg [dreg:$0x7]  }
0x3c: {  	[tilespmem:s0], [sflag:$0x1] =	stream.indirect_vreg.gather [hbm4b:s2+s3], $0x80, v3, vm0, $0xb8;
	[tilespmem:$0x15680] =	vst v63  }
0x3d: {  	s4 =	rddreg [dreg:$0x8]  }
0x3e: {  	[tilespmem:s4], [sflag:$0x1] =	stream.indirect_vreg.gather [hbm4b:s5+s3], $0x80, v3, vm0, $0xb8;
	[tilespmem:$0x15680] =	vst v63  }
0x3f: {  	s0 =	rddreg [dreg:$0x9]  }
0x40: {  	[tilespmem:s0], [sflag:$0x1] =	stream.indirect_vreg.gather [hbm4b:s6+s3], $0x80, v3, vm0, $0xb8;
	[tilespmem:$0x15680] =	vst v63  }
0x41: {  	v3 =	vld [tilespmem:s31+$0xFFFFFFD8];
	_ =	sdelay $0x4  }
0x42: {  	v57 =	vshrl.u32 v3, $0x3  }
0x43: {  	v4 =	vmul.u32 $0x30, v57  }
0x44: {  	v3 =	vand.u32 $0x7, v3  }
0x45: {  	v3 =	vor.u32 v3, v4  }
0x46: {  	v4 =	vperm.xlane v3, v0;
	_ =	sdelay $0x1  }
0x47: {  	v4 =	vadd.s32 v1, v4;
	_ =	sdelay $0x3  }
0x48: {  	s0 =	rddreg [dreg:$0xa];
	v3 =	vperm.xlane v3, v2  }
0x49: {  	[tilespmem:s0], [sflag:$0x1] =	stream.indirect_vreg.gather [hbm4b:s2+s3], $0x80, v4, vm0, $0xb8;
	[tilespmem:$0x15680] =	vst v63  }
0x4a: {  	s4 =	rddreg [dreg:$0xb];
	v3 =	vadd.s32 v1, v3  }
0x4b: {  	[tilespmem:s4], [sflag:$0x1] =	stream.indirect_vreg.gather [hbm4b:s5+s3], $0x80, v4, vm0, $0xb8;
	[tilespmem:$0x15680] =	vst v63  }
0x4c: {  	s0 =	rddreg [dreg:$0xc]  }
0x4d: {  	[tilespmem:s0], [sflag:$0x1] =	stream.indirect_vreg.gather [hbm4b:s6+s3], $0x80, v4, vm0, $0xb8;
	[tilespmem:$0x15680] =	vst v63  }
0x4e: {  	s4 =	rddreg [dreg:$0xd]  }
0x4f: {  	[tilespmem:s4], [sflag:$0x1] =	stream.indirect_vreg.gather [hbm4b:s2+s3], $0x80, v3, vm0, $0xb8;
	[tilespmem:$0x15680] =	vst v63  }
0x50: {  	s0 =	rddreg [dreg:$0xe]  }
0x51: {  	[tilespmem:s0], [sflag:$0x1] =	stream.indirect_vreg.gather [hbm4b:s5+s3], $0x80, v3, vm0, $0xb8;
	[tilespmem:$0x15680] =	vst v63  }
0x52: {  	s4 =	rddreg [dreg:$0xf]  }
0x53: {  	[tilespmem:s4], [sflag:$0x1] =	stream.indirect_vreg.gather [hbm4b:s6+s3], $0x80, v3, vm0, $0xb8;
	[tilespmem:$0x15680] =	vst v63  }
0x54: {  	v3 =	vld [tilespmem:s31+$0xFFFFFFE8];
	_ =	sdelay $0x4  }
0x55: {  	v58 =	vshrl.u32 v3, $0x3  }
0x56: {  	v4 =	vmul.u32 $0x30, v58  }
0x57: {  	v3 =	vand.u32 $0x7, v3  }
0x58: {  	v3 =	vor.u32 v3, v4  }
0x59: {  	v4 =	vperm.xlane v3, v0;
	_ =	sdelay $0x1  }
0x5a: {  	v4 =	vadd.s32 v1, v4;
	_ =	sdelay $0x3  }
0x5b: {  	s0 =	rddreg [dreg:$0x10];
	v3 =	vperm.xlane v3, v2  }
0x5c: {  	[tilespmem:s0], [sflag:$0x1] =	stream.indirect_vreg.gather [hbm4b:s2+s3], $0x80, v4, vm0, $0xb8;
	[tilespmem:$0x15680] =	vst v63  }
0x5d: {  	s4 =	rddreg [dreg:$0x11];
	v3 =	vadd.s32 v1, v3  }
0x5e: {  	[tilespmem:s4], [sflag:$0x1] =	stream.indirect_vreg.gather [hbm4b:s5+s3], $0x80, v4, vm0, $0xb8;
	[tilespmem:$0x15680] =	vst v63  }
0x5f: {  	s0 =	rddreg [dreg:$0x12]  }
0x60: {  	[tilespmem:s0], [sflag:$0x1] =	stream.indirect_vreg.gather [hbm4b:s6+s3], $0x80, v4, vm0, $0xb8;
	[tilespmem:$0x15680] =	vst v63  }
0x61: {  	s4 =	rddreg [dreg:$0x13]  }
0x62: {  	[tilespmem:s4], [sflag:$0x1] =	stream.indirect_vreg.gather [hbm4b:s2+s3], $0x80, v3, vm0, $0xb8;
	[tilespmem:$0x15680] =	vst v63  }
0x63: {  	s0 =	rddreg [dreg:$0x14]  }
0x64: {  	[tilespmem:s0], [sflag:$0x1] =	stream.indirect_vreg.gather [hbm4b:s5+s3], $0x80, v3, vm0, $0xb8;
	[tilespmem:$0x15680] =	vst v63  }
0x65: {  	s4 =	rddreg [dreg:$0x15]  }
0x66: {  	[tilespmem:s4], [sflag:$0x1] =	stream.indirect_vreg.gather [hbm4b:s6+s3], $0x80, v3, vm0, $0xb8;
	[tilespmem:$0x15680] =	vst v63  }
0x67: {  	v3 =	vld.msk [tilespmem:s31+$0xFFFFFFF8], $0xff;
	_ =	sdelay $0x4  }
0x68: {  	v59 =	vshrl.u32 v3, $0x3  }
0x69: {  	v4 =	vmul.u32 $0x30, v59  }
0x6a: {  	v3 =	vand.u32 $0x7, v3  }
0x6b: {  	v3 =	vor.u32 v3, v4  }
0x6c: {  	v3 =	vperm.xlane v3, v0;
	_ =	sdelay $0x1  }
0x6d: {  	v3 =	vadd.s32 v1, v3;
	_ =	sdelay $0x3  }
0x6e: {  	s0 =	rddreg [dreg:$0x16]  }
0x6f: {  	[tilespmem:s0], [sflag:$0x1] =	stream.indirect_vreg.gather [hbm4b:s2+s3], $0x80, v3, vm0, $0xb8;
	[tilespmem:$0x15680] =	vst v63  }
0x70: {  	s4 =	rddreg [dreg:$0x17]  }
0x71: {  	[tilespmem:s4], [sflag:$0x1] =	stream.indirect_vreg.gather [hbm4b:s5+s3], $0x80, v3, vm0, $0xb8;
	[tilespmem:$0x15680] =	vst v63  }
0x72: {  	s0 =	rddreg [dreg:$0x18]  }
0x73: {  	[tilespmem:s0], [sflag:$0x1] =	stream.indirect_vreg.gather [hbm4b:s6+s3], $0x80, v3, vm0, $0xb8;
	[tilespmem:$0x15680] =	vst v63  }
0x74: {  	v3 =	vld [tilespmem:s31+$0x0];
	_ =	sdelay $0x4  }
0x75: {  	v60 =	vshrl.u32 v3, $0x3  }
0x76: {  	v4 =	vmul.u32 $0x30, v60  }
0x77: {  	v3 =	vand.u32 $0x7, v3  }
0x78: {  	v3 =	vor.u32 v3, v4  }
0x79: {  	v4 =	vperm.xlane v3, v0;
	_ =	sdelay $0x1  }
0x7a: {  	v4 =	vadd.s32 v1, v4;
	_ =	sdelay $0x3  }
0x7b: {  	v3 =	vperm.xlane v3, v2  }
0x7c: {  	[tilespmem:s10], [sflag:$0x2] =	stream.indirect_vreg.gather [hbm4b:s2+s3], $0x80, v4, vm0, $0xb8;
	[tilespmem:$0x15680] =	vst v63  }
0x7d: {  	s0 =	rddreg [dreg:$0x19];
	v3 =	vadd.s32 v1, v3  }
0x7e: {  	[tilespmem:s0], [sflag:$0x2] =	stream.indirect_vreg.gather [hbm4b:s5+s3], $0x80, v4, vm0, $0xb8;
	[tilespmem:$0x15680] =	vst v63  }
0x7f: {  	s4 =	rddreg [dreg:$0x1a]  }
0x80: {  	[tilespmem:s4], [sflag:$0x2] =	stream.indirect_vreg.gather [hbm4b:s6+s3], $0x80, v4, vm0, $0xb8;
	[tilespmem:$0x15680] =	vst v63  }
0x81: {  	s0 =	rddreg [dreg:$0x1b]  }
0x82: {  	[tilespmem:s0], [sflag:$0x2] =	stream.indirect_vreg.gather [hbm4b:s2+s3], $0x80, v3, vm0, $0xb8;
	[tilespmem:$0x15680] =	vst v63  }
0x83: {  	s4 =	rddreg [dreg:$0x1c]  }
0x84: {  	[tilespmem:s4], [sflag:$0x2] =	stream.indirect_vreg.gather [hbm4b:s5+s3], $0x80, v3, vm0, $0xb8;
	[tilespmem:$0x15680] =	vst v63  }
0x85: {  	_ = 	snop  }
0x86: {  	[tilespmem:s11], [sflag:$0x2] =	stream.indirect_vreg.gather [hbm4b:s6+s3], $0x80, v3, vm0, $0xb8;
	[tilespmem:$0x15680] =	vst v63  }
0x87: {  	v3 =	vld [tilespmem:s31+$0x10];
	_ =	sdelay $0x4  }
0x88: {  	v61 =	vshrl.u32 v3, $0x3  }
0x89: {  	v4 =	vmul.u32 $0x30, v61  }
0x8a: {  	v3 =	vand.u32 $0x7, v3  }
0x8b: {  	v3 =	vor.u32 v3, v4  }
0x8c: {  	v4 =	vperm.xlane v3, v0;
	_ =	sdelay $0x1  }
0x8d: {  	v4 =	vadd.s32 v1, v4;
	_ =	sdelay $0x3  }
0x8e: {  	v3 =	vperm.xlane v3, v2  }
0x8f: {  	[tilespmem:s12], [sflag:$0x2] =	stream.indirect_vreg.gather [hbm4b:s2+s3], $0x80, v4, vm0, $0xb8;
	[tilespmem:$0x15680] =	vst v63  }
0x90: {  	v3 =	vadd.s32 v1, v3  }
0x91: {  	[tilespmem:s13], [sflag:$0x2] =	stream.indirect_vreg.gather [hbm4b:s5+s3], $0x80, v4, vm0, $0xb8;
	[tilespmem:$0x15680] =	vst v63  }
0x92: {  	_ = 	snop  }
0x93: {  	[tilespmem:s14], [sflag:$0x2] =	stream.indirect_vreg.gather [hbm4b:s6+s3], $0x80, v4, vm0, $0xb8;
	[tilespmem:$0x15680] =	vst v63  }
0x94: {  	_ = 	snop  }
0x95: {  	[tilespmem:s15], [sflag:$0x2] =	stream.indirect_vreg.gather [hbm4b:s2+s3], $0x80, v3, vm0, $0xb8;
	[tilespmem:$0x15680] =	vst v63  }
0x96: {  	_ = 	snop  }
0x97: {  	[tilespmem:s16], [sflag:$0x2] =	stream.indirect_vreg.gather [hbm4b:s5+s3], $0x80, v3, vm0, $0xb8;
	[tilespmem:$0x15680] =	vst v63  }
0x98: {  	_ = 	snop  }
0x99: {  	[tilespmem:s17], [sflag:$0x2] =	stream.indirect_vreg.gather [hbm4b:s6+s3], $0x80, v3, vm0, $0xb8;
	[tilespmem:$0x15680] =	vst v63  }
0x9a: {  	v3 =	vld [tilespmem:s31+$0x20];
	_ =	sdelay $0x4  }
0x9b: {  	v62 =	vshrl.u32 v3, $0x3  }
0x9c: {  	v4 =	vmul.u32 $0x30, v62  }
0x9d: {  	v3 =	vand.u32 $0x7, v3  }
0x9e: {  	v3 =	vor.u32 v3, v4  }
0x9f: {  	v4 =	vperm.xlane v3, v0;
	_ =	sdelay $0x1  }
0xa0: {  	v4 =	vadd.s32 v1, v4;
	_ =	sdelay $0x3  }
0xa1: {  	v3 =	vperm.xlane v3, v2  }
0xa2: {  	[tilespmem:s18], [sflag:$0x2] =	stream.indirect_vreg.gather [hbm4b:s2+s3], $0x80, v4, vm0, $0xb8;
	[tilespmem:$0x15680] =	vst v63  }
0xa3: {  	v3 =	vadd.s32 v1, v3  }
0xa4: {  	[tilespmem:s19], [sflag:$0x2] =	stream.indirect_vreg.gather [hbm4b:s5+s3], $0x80, v4, vm0, $0xb8;
	[tilespmem:$0x15680] =	vst v63  }
0xa5: {  	_ = 	snop  }
0xa6: {  	[tilespmem:s20], [sflag:$0x2] =	stream.indirect_vreg.gather [hbm4b:s6+s3], $0x80, v4, vm0, $0xb8;
	[tilespmem:$0x15680] =	vst v63  }
0xa7: {  	_ = 	snop  }
0xa8: {  	[tilespmem:s21], [sflag:$0x2] =	stream.indirect_vreg.gather [hbm4b:s2+s3], $0x80, v3, vm0, $0xb8;
	[tilespmem:$0x15680] =	vst v63  }
0xa9: {  	_ = 	snop  }
0xaa: {  	[tilespmem:s22], [sflag:$0x2] =	stream.indirect_vreg.gather [hbm4b:s5+s3], $0x80, v3, vm0, $0xb8;
	[tilespmem:$0x15680] =	vst v63  }
0xab: {  	_ = 	snop  }
0xac: {  	[tilespmem:s23], [sflag:$0x2] =	stream.indirect_vreg.gather [hbm4b:s6+s3], $0x80, v3, vm0, $0xb8;
	[tilespmem:$0x15680] =	vst v63  }
0xad: {  	v3 =	vld.msk [tilespmem:s31+$0x30], $0xff;
	_ =	sdelay $0x4  }
0xae: {  	v63 =	vshrl.u32 v3, $0x3  }
0xaf: {  	v4 =	vmul.u32 $0x30, v63  }
0xb0: {  	v3 =	vand.u32 $0x7, v3  }
0xb1: {  	v3 =	vor.u32 v3, v4  }
0xb2: {  	v3 =	vperm.xlane v3, v0;
	_ =	sdelay $0x1  }
0xb3: {  	v3 =	vadd.s32 v1, v3;
	_ =	sdelay $0x4  }
0xb4: {  	[tilespmem:s24], [sflag:$0x2] =	stream.indirect_vreg.gather [hbm4b:s2+s3], $0x80, v3, vm0, $0xb8;
	[tilespmem:$0x15680] =	vst v63  }
0xb5: {  	_ = 	snop  }
0xb6: {  	[tilespmem:s25], [sflag:$0x2] =	stream.indirect_vreg.gather [hbm4b:s5+s3], $0x80, v3, vm0, $0xb8;
	[tilespmem:$0x15680] =	vst v63  }
0xb7: {  	_ = 	snop  }
0xb8: {  	[tilespmem:s26], [sflag:$0x2] =	stream.indirect_vreg.gather [hbm4b:s6+s3], $0x80, v3, vm0, $0xb8;
	[tilespmem:$0x15680] =	vst v63  }
0xb9: {  	_ =	swait.ge [sflag:s28], $0xA800  }
0xba: {  	s4 =	rddreg [dreg:$0x4];
	[sflag:s28] =	ssyncset.done $0x0  }
0xbb: {  	[sflag:s28] =	ssyncadd.s32 $0xFFFF5800;
	s0 =	sadd.s32 s1, s4  }
0xbc: {  	[hbm4b:s0+s3] =	stream.linear.scatter [tilespmem:s9], [sflag:$0x3], $0xA800, $0x38;
	[tilespmem:$0x15680] =	vst v63  }
0xbd: {  	_ =	swait.ge [sflag:s8], $0xA800  }
0xbe: {  	[sflag:s8] =	ssyncset.done $0x0  }
0xbf: {  	[sflag:s8] =	ssyncadd.s32 $0xFFFF5800  }
0xc0: {  	_ =	swait.ge [sflag:s29], $0xA800  }
0xc1: {  	p0 =	sne.s32 s1, $0x22200;
	s4 =	rddreg [dreg:$0x3];
	[sflag:s29] =	ssyncset.done $0x0  }
.Ltmp0:
0xc2: {  	[sflag:s29] =	ssyncadd.s32 $0xFFFF5800;
	s0 =	sadd.s32 s1, s4;
	(pc) =	sbr.rel @p0 .LBB2_2-.Ltmp0, $4  }
0xc3: {  	[hbm4b:s0+s3] =	stream.linear.scatter [tilespmem:s10], [sflag:$0x3], $0xA800, $0x38;
	[tilespmem:$0x15680] =	vst v63  }
0xc4: {  	_ =	swait.ge [sflag:s8], $0xA800  }
0xc5: {  	[sflag:s8] =	ssyncset.done $0x0  }
0xc6: {  	s31 =	sadd.s32 $0x70, s31;
	s1 =	sadd.s32 $0x2A00, s1;
	[sflag:s8] =	ssyncadd.s32 $0xFFFF5800  }
0xc7: {  	s30 =	sadd.s32 $0x1, s30  }
0xc8: {  	p0 =	sne.s32 s30, s7  }
.Ltmp1:
0xc9: {  	_ = 	snop;
	(pc) =	sbr.rel @p0 .LBB2_1-.Ltmp1, $1  }
0xca: {  	_ =	sdelay $0x3  }
0xcb: {  	_ =	sfence.sel $0x180000  }
0xcc: {  	[bflag:$0x0] =	sbarrier.arrive $0xFFFF  }
0xcd: {  	_ =	strace $0x90000047  }
0xce: {  	s0 =	stileid.u32;
	[bflag:$0x2] =	sbarrier.arrive $0xFFFF  }
0xcf: {  	p0 =	sne.s32 s0, $0x0;
	s0 =	rddreg [dreg:$0x2]  }
0xd0: {  	s0 =	sadd.s32 @!p0 $0x100000, s0  }
0xd1: {  	[sflag:s0] =	ssyncadd.tile.s32 @!p0 $0x1;
	_ =	shalt  }
.Lfunc_end2:
_tile_overlayer_lowered:
.L_overlay_start_2:
0xd2: {  	(tag) =	ssettag $0x2  }
0xd3: {  	s0 =	rddreg [dreg:$0x0];
	s2 =	stileid.u32  }
0xd4: {  	s1 =	rddreg [dreg:$0x1];
	p0 =	sne.s32 s2, $0x0  }
0xd5: {  	s3 =	rddreg [dreg:$0x2];
	[bflag:$0x3] =	sbarrier.arrive $0xFFFF;
	s2 =	simm.s32 @!p0 $0x1C03  }
0xd6: {  	[timem:s3], [sflag:s2] =	dma.local @!p0 [hbm:s0], s1  }
0xd7: {  	s0 =	simm.s32 @!p0 $0x3  }
0xd8: {  	_ =	swait.ge @!p0 [sflag:s0], s1  }
0xd9: {  	s1 =	ssub.s32 @!p0 $0x0, s1;
	[sflag:s0] =	ssyncset.done @!p0 $0x0  }
0xda: {  	[sflag:s0] =	ssyncadd.s32 @!p0 s1  }
0xdb: {  	[bflag:$0x3] =	sbarrier.arrive $0xFFFF  }
0xdc: {  	_ =	shalt  }

</sc_bundles>
